<compile_context>
chip_gen: v7x
topology: tpu7x:2x2x1
jax: 0.10.2.dev20260603
libtpu: 0.0.44.dev20260713+nightly
codegen_flags: <defaults>
</compile_context>

<pallas_src>
import functools

import jax
import jax.numpy as jnp
from jax import lax
from jax.experimental import pallas as pl
from jax.experimental.pallas import tpu as pltpu
from jax.experimental.pallas import tpu_sc as plsc

NC = 2
NS = 16
CHUNK = 128
DEGW = 8


def _make_agg(n_pad, d, kb, rem):
  mesh = plsc.VectorSubcoreMesh(core_axis_name="c", subcore_axis_name="s")
  rows_per_tile = n_pad // NS

  @functools.partial(
      pl.kernel,
      mesh=mesh,
      out_type=jax.ShapeDtypeStruct((NC, n_pad, d), jnp.float32),
      compiler_params=pltpu.CompilerParams(use_tc_tiling_on_sc=False),
      scratch_types=[
          pltpu.VMEM((kb * CHUNK,), jnp.int32),
          pltpu.VMEM((kb, CHUNK), jnp.int32),
          pltpu.VMEM((CHUNK,), jnp.int32),
          pltpu.VMEM((CHUNK,), jnp.int32),
          pltpu.VMEM((CHUNK, d), jnp.float32),
          pltpu.VMEM((CHUNK, d), jnp.float32),
          pltpu.VMEM((CHUNK, d), jnp.float32),
          pltpu.VMEM_SHARED((n_pad, d), jnp.float32),
          pltpu.VMEM_SHARED((n_pad, d), jnp.float32),
          pltpu.SemaphoreType.DMA,
          pltpu.SemaphoreType.DMA,
          pltpu.SemaphoreType.DMA,
      ],
  )
  def agg(hs_hbm, ei_hbm, dst_hbm, zeros_hbm, out_hbm,
          src_v, dst_v, srcx_v, dstx_v, rows_v, rows_h, rows_h2, hs_s, acc,
          sem, hsem, hsem2):
    c = lax.axis_index("c")
    s = lax.axis_index("s")
    tid = c * NS + s
    sl = pl.ds(s * rows_per_tile, rows_per_tile)
    pltpu.sync_copy(hs_hbm.at[sl], hs_s.at[sl])
    pltpu.sync_copy(zeros_hbm.at[sl], acc.at[sl])
    pltpu.sync_copy(ei_hbm.at[0, pl.ds(tid * kb * CHUNK, kb * CHUNK)], src_v)
    pltpu.sync_copy(dst_hbm.at[pl.ds(tid * kb, kb)], dst_v)
    if rem:
      @pl.when(tid < rem)
      def _():
        pltpu.sync_copy(
            ei_hbm.at[0, pl.ds((NC * NS * kb + tid) * CHUNK, CHUNK)], srcx_v)
        pltpu.sync_copy(dst_hbm.at[NC * NS * kb + tid], dstx_v)
    plsc.subcore_barrier()

    def step(sv, dv):
      pltpu.async_copy(hs_s.at[sv], rows_v, sem).wait()
      pltpu.sync_copy(rows_v, acc.at[dv], add=True)

    def triple_body(jj, carry):
      j0 = 3 * jj
      h1 = pltpu.make_async_copy(
          hs_hbm.at[src_v.at[pl.ds((j0 + 1) * CHUNK, CHUNK)]], rows_h, hsem)
      h2 = pltpu.make_async_copy(
          hs_hbm.at[src_v.at[pl.ds((j0 + 2) * CHUNK, CHUNK)]], rows_h2, hsem2)
      h1.start()
      h2.start()
      step(src_v.at[pl.ds(j0 * CHUNK, CHUNK)], dst_v.at[j0])
      h1.wait()
      pltpu.sync_copy(rows_h, acc.at[dst_v.at[j0 + 1]], add=True)
      h2.wait()
      pltpu.sync_copy(rows_h2, acc.at[dst_v.at[j0 + 2]], add=True)
      return carry

    lax.fori_loop(0, kb // 3, triple_body, 0)
    for j in range(kb - kb % 3, kb):
      step(src_v.at[pl.ds(j * CHUNK, CHUNK)], dst_v.at[j])
    if rem:
      @pl.when(tid < rem)
      def _():
        step(srcx_v, dstx_v)
    plsc.subcore_barrier()
    pltpu.sync_copy(acc.at[sl], out_hbm.at[c, sl])

  return agg


def _make_deg(n_pad, kb, rem, w=DEGW):
  mesh = plsc.VectorSubcoreMesh(core_axis_name="c", subcore_axis_name="s")
  rows_per_tile = n_pad // NS

  @functools.partial(
      pl.kernel,
      mesh=mesh,
      out_type=jax.ShapeDtypeStruct((NC, n_pad, w), jnp.float32),
      compiler_params=pltpu.CompilerParams(use_tc_tiling_on_sc=False),
      scratch_types=[
          pltpu.VMEM((kb, CHUNK), jnp.int32),
          pltpu.VMEM((CHUNK,), jnp.int32),
          pltpu.VMEM((CHUNK, w), jnp.float32),
          pltpu.VMEM_SHARED((n_pad, w), jnp.float32),
      ],
  )
  def deg(dst_hbm, ones_hbm, zeros_hbm, out_hbm, dst_v, dstx_v, ones_v, acc):
    c = lax.axis_index("c")
    s = lax.axis_index("s")
    tid = c * NS + s
    pltpu.sync_copy(ones_hbm, ones_v)
    sl = pl.ds(s * rows_per_tile, rows_per_tile)
    pltpu.sync_copy(zeros_hbm.at[pl.ds(0, rows_per_tile)], acc.at[sl])
    pltpu.sync_copy(dst_hbm.at[pl.ds(tid * kb, kb)], dst_v)
    if rem:
      @pl.when(tid < rem)
      def _():
        pltpu.sync_copy(dst_hbm.at[NC * NS * kb + tid], dstx_v)
    plsc.subcore_barrier()

    def chunk_body(j, carry):
      pltpu.sync_copy(ones_v, acc.at[dst_v.at[j]], add=True)
      return carry

    lax.fori_loop(0, kb, chunk_body, 0)
    if rem:
      @pl.when(tid < rem)
      def _():
        pltpu.sync_copy(ones_v, acc.at[dstx_v], add=True)
    plsc.subcore_barrier()
    pltpu.sync_copy(acc.at[sl], out_hbm.at[c, sl])

  return deg


def _tc_first(x, w1, deg2, block):
  n = x.shape[0]
  d_in, d_hid = w1.shape
  degw = deg2.shape[2]

  def body(x_ref, da_ref, db_ref, w_ref, hs_ref, dis_ref):
    deg = da_ref[0, :, :1] + db_ref[0, :, :1] + 1.0
    dis = lax.rsqrt(deg)
    h = jnp.dot(x_ref[...], w_ref[...], preferred_element_type=jnp.float32)
    hs_ref[...] = h * dis
    dis_ref[...] = dis

  grid = (n // block,)
  return pl.pallas_call(
      body,
      grid=grid,
      in_specs=[
          pl.BlockSpec((block, d_in), lambda i: (i, 0)),
          pl.BlockSpec((1, block, degw), lambda i: (0, i, 0)),
          pl.BlockSpec((1, block, degw), lambda i: (1, i, 0)),
          pl.BlockSpec((d_in, d_hid), lambda i: (0, 0)),
      ],
      out_specs=[
          pl.BlockSpec((block, d_hid), lambda i: (i, 0)),
          pl.BlockSpec((block, 1), lambda i: (i, 0)),
      ],
      out_shape=[
          jax.ShapeDtypeStruct((n, d_hid), jnp.float32),
          jax.ShapeDtypeStruct((n, 1), jnp.float32),
      ],
  )(x, deg2, deg2, w1)


def _tc_mid(p2, hs1, dis, b1, w2, block):
  n, d_hid = hs1.shape
  d_out = w2.shape[1]

  def body(pa_ref, pb_ref, hs_ref, dis_ref, b_ref, w_ref, hs2_ref):
    dis = dis_ref[...]
    z = dis * (pa_ref[0] + pb_ref[0] + hs_ref[...]) + b_ref[...]
    z = jnp.maximum(z, 0.0)
    h2 = jnp.dot(z, w_ref[...], preferred_element_type=jnp.float32)
    hs2_ref[...] = h2 * dis

  grid = (n // block,)
  return pl.pallas_call(
      body,
      grid=grid,
      in_specs=[
          pl.BlockSpec((1, block, d_hid), lambda i: (0, i, 0)),
          pl.BlockSpec((1, block, d_hid), lambda i: (1, i, 0)),
          pl.BlockSpec((block, d_hid), lambda i: (i, 0)),
          pl.BlockSpec((block, 1), lambda i: (i, 0)),
          pl.BlockSpec((1, d_hid), lambda i: (0, 0)),
          pl.BlockSpec((d_hid, d_out), lambda i: (0, 0)),
      ],
      out_specs=pl.BlockSpec((block, d_out), lambda i: (i, 0)),
      out_shape=jax.ShapeDtypeStruct((n, d_out), jnp.float32),
  )(p2, p2, hs1, dis, b1, w2)


def _tc_last(q2, hs2, dis, b2, block):
  n, d_out = hs2.shape

  def body(qa_ref, qb_ref, hs_ref, dis_ref, b_ref, o_ref):
    dis = dis_ref[...]
    o_ref[...] = dis * (qa_ref[0] + qb_ref[0] + hs_ref[...]) + b_ref[...]

  grid = (n // block,)
  return pl.pallas_call(
      body,
      grid=grid,
      in_specs=[
          pl.BlockSpec((1, block, d_out), lambda i: (0, i, 0)),
          pl.BlockSpec((1, block, d_out), lambda i: (1, i, 0)),
          pl.BlockSpec((block, d_out), lambda i: (i, 0)),
          pl.BlockSpec((block, 1), lambda i: (i, 0)),
          pl.BlockSpec((1, d_out), lambda i: (0, 0)),
      ],
      out_specs=pl.BlockSpec((block, d_out), lambda i: (i, 0)),
      out_shape=jax.ShapeDtypeStruct((n, d_out), jnp.float32),
  )(q2, q2, hs2, dis, b2)


def kernel(x, edge_index, W1, b1, W2, b2):
  n, d_in = x.shape
  d_hid = W1.shape[1]
  d_out = W2.shape[1]
  e = edge_index.shape[1]

  ei = edge_index.astype(jnp.int32)
  if e % CHUNK:
    pad = CHUNK - e % CHUNK
    ei = jnp.concatenate(
        [ei, jnp.tile(jnp.array([[0], [n]], jnp.int32), (1, pad))], axis=1)
    e += pad
  ktot = e // CHUNK
  kb = ktot // (NC * NS)
  rem = ktot - NC * NS * kb
  dst_arr = ei[1].reshape(ktot, CHUNK)

  n_pad = -(-(n + 1) // (NS * 8)) * (NS * 8)

  zeros_big = jnp.zeros((n_pad, max(d_hid, d_out)), jnp.float32)
  ones_col = jnp.ones((CHUNK, DEGW), jnp.float32)
  zeros_col = jnp.zeros((n_pad, DEGW), jnp.float32)
  x_p = jnp.pad(x, ((0, n_pad - n), (0, 0)))

  deg2 = _make_deg(n_pad, kb, rem)(dst_arr, ones_col, zeros_col)

  block = n_pad // 8
  hs1, dis = _tc_first(x_p, W1, deg2, block)

  agg1 = _make_agg(n_pad, d_hid, kb, rem)(
      hs1, ei, dst_arr, zeros_big[:, :d_hid])
  hs2 = _tc_mid(agg1, hs1, dis, b1.reshape(1, d_hid), W2, block)

  agg2 = _make_agg(n_pad, d_out, kb, rem)(
      hs2, ei, dst_arr, zeros_big[:, :d_out])
  out = _tc_last(agg2, hs2, dis, b2.reshape(1, d_out), block)
  return out[:n]

# --- scband reference (transcript-rebuilt; emitter-appended) ---
"""Pipeline reference for scband-normal-gcn-15556371546754 (READ-ONLY COPY).

The authoritative reference and input builder live on the scoring server;
editing this copy changes nothing except your own understanding.
"""

import jax, jax.numpy as jnp
import numpy as np


def gcn_conv(x, edge_index, W, b):
    N = x.shape[0]
    src = edge_index[0]
    dst = edge_index[1]
    # add self loops
    loop = jnp.arange(N, dtype=edge_index.dtype)
    src = jnp.concatenate([src, loop])
    dst = jnp.concatenate([dst, loop])
    # symmetric normalization D^{-1/2} (A+I) D^{-1/2}
    deg = jnp.zeros((N,), dtype=x.dtype).at[dst].add(1.0)
    deg_inv_sqrt = jnp.where(deg > 0, 1.0 / jnp.sqrt(deg), 0.0)
    norm = deg_inv_sqrt[src] * deg_inv_sqrt[dst]
    # linear transform first (PyG GCNConv semantics), then propagate
    h = x @ W
    msg = h[src] * norm[:, None]
    out = jax.ops.segment_sum(msg, dst, num_segments=N)
    return out + b


def setup_inputs(seed: int = 0) -> dict:
    key = jax.random.key(seed)
    k_x, k_e, k_w1, k_w2 = jax.random.split(key, 4)
    N = 10000
    E = 320000
    d_in, d_hid, d_out = 128, 64, 16
    x = jax.random.normal(k_x, (N, d_in), dtype=jnp.float32)
    edge_index = jax.random.randint(k_e, (2, E), 0, N, dtype=jnp.int64)
    W1 = jax.random.normal(k_w1, (d_in, d_hid), dtype=jnp.float32) * (1.0 / np.sqrt(d_in))
    b1 = jnp.zeros((d_hid,), dtype=jnp.float32)
    W2 = jax.random.normal(k_w2, (d_hid, d_out), dtype=jnp.float32) * (1.0 / np.sqrt(d_hid))
    b2 = jnp.zeros((d_out,), dtype=jnp.float32)
    return {"x": x, "edge_index": edge_index, "W1": W1, "b1": b1, "W2": W2, "b2": b2}


def reference(x, edge_index, W1, b1, W2, b2):
    # NormalGCN.forward with training=False, return_embeddings=False
    h = gcn_conv(x, edge_index, W1, b1)
    h = jax.nn.relu(h)
    out = gcn_conv(h, edge_index, W2, b2)
    return out

if __name__ == "__main__":
    import jax
    _d = setup_inputs()
    print(jax.jit(kernel)(*tuple(_d.values())))

</pallas_src>

<mosaic_0001>
#map = affine_map<(d0, d1) -> (0, 0)>
#map1 = affine_map<(d0, d1) -> (0, 0, 0)>
module attributes {stable_mosaic.version = 14 : i64} {
  func.func @agg(%arg0: i32, %arg1: i32, %arg2: memref<10112x16xf32, #tpu.memory_space<hbm>>, %arg3: memref<2x320000xi32, #tpu.memory_space<hbm>>, %arg4: memref<2500x128xi32, #tpu.memory_space<hbm>>, %arg5: memref<10112x16xf32, #tpu.memory_space<hbm>>, %arg6: memref<2x10112x16xf32, #tpu.memory_space<hbm>>, %arg7: memref<9984xi32, #tpu.memory_space<vmem>>, %arg8: memref<78x128xi32, #tpu.memory_space<vmem>>, %arg9: memref<128xi32, #tpu.memory_space<vmem>>, %arg10: memref<128xi32, #tpu.memory_space<vmem>>, %arg11: memref<128x16xf32, #tpu.memory_space<vmem>>, %arg12: memref<128x16xf32, #tpu.memory_space<vmem>>, %arg13: memref<128x16xf32, #tpu.memory_space<vmem>>, %arg14: memref<10112x16xf32, #tpu.memory_space<vmem_shared>>, %arg15: memref<10112x16xf32, #tpu.memory_space<vmem_shared>>, %arg16: memref<!tpu.dma_semaphore, #tpu.memory_space<semaphore_mem>>, %arg17: memref<!tpu.dma_semaphore, #tpu.memory_space<semaphore_mem>>, %arg18: memref<!tpu.dma_semaphore, #tpu.memory_space<semaphore_mem>>) attributes {dimension_semantics = [#tpu.dimension_semantics<core_parallel>, #tpu.dimension_semantics<subcore_parallel>], iteration_bounds = array<i64: 2, 16>, scalar_prefetch = 0 : i64, scratch_operands = 12 : i64, tpu.core_type = #tpu.core_type<sc_vector_subcore>, window_params = [{transform_indices = #map}, {transform_indices = #map}, {transform_indices = #map}, {transform_indices = #map}, {transform_indices = #map1}]} {
    %mul3A = arith.constant 16 : i32
    %mul3A_0 = arith.muli %arg0, %mul3A : i32
    %add3A = arith.addi %mul3A_0, %arg1 : i32
    %mul3A_1 = arith.constant 632 : i32
    %mul3A_2 = arith.muli %arg1, %mul3A_1 : i32
    "tpu.region"() ({
      %run_scoped3A_22 = tpu.sem_alloc : memref<!tpu.dma_semaphore, #tpu.memory_space<semaphore_mem>>
      %dma_start3A = arith.constant 0 : i32
      %dma_start3A_23 = tpu.memref_slice %arg14[%mul3A_2, %dma_start3A] : memref<10112x16xf32, #tpu.memory_space<vmem_shared>> -> memref<632x16xf32, #tpu.memory_space<vmem_shared>>
      %dma_start3A_24 = arith.constant 0 : i32
      %dma_start3A_25 = tpu.memref_slice %arg2[%mul3A_2, %dma_start3A_24] : memref<10112x16xf32, #tpu.memory_space<hbm>> -> memref<632x16xf32, #tpu.memory_space<hbm>>
      tpu.enqueue_dma source(%dma_start3A_25 : memref<632x16xf32, #tpu.memory_space<hbm>>) target(%dma_start3A_23 : memref<632x16xf32, #tpu.memory_space<vmem_shared>>) target_semaphore(%run_scoped3A_22 : memref<!tpu.dma_semaphore, #tpu.memory_space<semaphore_mem>>)
      %dma_wait3A = arith.constant 0 : i32
      %dma_wait3A_26 = tpu.memref_slice %arg14[%mul3A_2, %dma_wait3A] : memref<10112x16xf32, #tpu.memory_space<vmem_shared>> -> memref<632x16xf32, #tpu.memory_space<vmem_shared>>
      %dma_wait3A_27 = arith.constant 0 : i32
      %dma_wait3A_28 = tpu.memref_slice %arg2[%mul3A_2, %dma_wait3A_27] : memref<10112x16xf32, #tpu.memory_space<hbm>> -> memref<632x16xf32, #tpu.memory_space<hbm>>
      tpu.wait_dma2 semaphore(%run_scoped3A_22 : memref<!tpu.dma_semaphore, #tpu.memory_space<semaphore_mem>>) src(%dma_wait3A_28 : memref<632x16xf32, #tpu.memory_space<hbm>>) dst(%dma_wait3A_26 : memref<632x16xf32, #tpu.memory_space<vmem_shared>>)
      tpu.yield
    }) : () -> ()
    "tpu.region"() ({
      %run_scoped3A_22 = tpu.sem_alloc : memref<!tpu.dma_semaphore, #tpu.memory_space<semaphore_mem>>
      %dma_start3A = arith.constant 0 : i32
      %dma_start3A_23 = tpu.memref_slice %arg15[%mul3A_2, %dma_start3A] : memref<10112x16xf32, #tpu.memory_space<vmem_shared>> -> memref<632x16xf32, #tpu.memory_space<vmem_shared>>
      %dma_start3A_24 = arith.constant 0 : i32
      %dma_start3A_25 = tpu.memref_slice %arg5[%mul3A_2, %dma_start3A_24] : memref<10112x16xf32, #tpu.memory_space<hbm>> -> memref<632x16xf32, #tpu.memory_space<hbm>>
      tpu.enqueue_dma source(%dma_start3A_25 : memref<632x16xf32, #tpu.memory_space<hbm>>) target(%dma_start3A_23 : memref<632x16xf32, #tpu.memory_space<vmem_shared>>) target_semaphore(%run_scoped3A_22 : memref<!tpu.dma_semaphore, #tpu.memory_space<semaphore_mem>>)
      %dma_wait3A = arith.constant 0 : i32
      %dma_wait3A_26 = tpu.memref_slice %arg15[%mul3A_2, %dma_wait3A] : memref<10112x16xf32, #tpu.memory_space<vmem_shared>> -> memref<632x16xf32, #tpu.memory_space<vmem_shared>>
      %dma_wait3A_27 = arith.constant 0 : i32
      %dma_wait3A_28 = tpu.memref_slice %arg5[%mul3A_2, %dma_wait3A_27] : memref<10112x16xf32, #tpu.memory_space<hbm>> -> memref<632x16xf32, #tpu.memory_space<hbm>>
      tpu.wait_dma2 semaphore(%run_scoped3A_22 : memref<!tpu.dma_semaphore, #tpu.memory_space<semaphore_mem>>) src(%dma_wait3A_28 : memref<632x16xf32, #tpu.memory_space<hbm>>) dst(%dma_wait3A_26 : memref<632x16xf32, #tpu.memory_space<vmem_shared>>)
      tpu.yield
    }) : () -> ()
    %mul3A_3 = arith.constant 78 : i32
    %mul3A_4 = arith.muli %add3A, %mul3A_3 : i32
    %mul3A_5 = arith.constant 128 : i32
    %mul3A_6 = arith.muli %mul3A_4, %mul3A_5 : i32
    %run_scoped3A = arith.constant 0 : i32
    "tpu.region"() ({
      %run_scoped3A_22 = tpu.sem_alloc : memref<!tpu.dma_semaphore, #tpu.memory_space<semaphore_mem>>
      %dma_start3A = tpu.memref_slice %arg3[%run_scoped3A, %mul3A_6] : memref<2x320000xi32, #tpu.memory_space<hbm>> -> memref<1x9984xi32, #tpu.memory_space<hbm>>
      %dma_start3A_23 = tpu.memref_squeeze %dma_start3A : memref<1x9984xi32, #tpu.memory_space<hbm>> -> memref<9984xi32, #tpu.memory_space<hbm>>
      %dma_start3A_24 = tpu.memref_slice %arg3[%run_scoped3A, %mul3A_6] : memref<2x320000xi32, #tpu.memory_space<hbm>> -> memref<1x9984xi32, #tpu.memory_space<hbm>>
      %dma_start3A_25 = tpu.memref_squeeze %dma_start3A_24 : memref<1x9984xi32, #tpu.memory_space<hbm>> -> memref<9984xi32, #tpu.memory_space<hbm>>
      tpu.enqueue_dma source(%dma_start3A_25 : memref<9984xi32, #tpu.memory_space<hbm>>) target(%arg7 : memref<9984xi32, #tpu.memory_space<vmem>>) target_semaphore(%run_scoped3A_22 : memref<!tpu.dma_semaphore, #tpu.memory_space<semaphore_mem>>)
      %dma_wait3A = tpu.memref_slice %arg3[%run_scoped3A, %mul3A_6] : memref<2x320000xi32, #tpu.memory_space<hbm>> -> memref<1x9984xi32, #tpu.memory_space<hbm>>
      %dma_wait3A_26 = tpu.memref_squeeze %dma_wait3A : memref<1x9984xi32, #tpu.memory_space<hbm>> -> memref<9984xi32, #tpu.memory_space<hbm>>
      %dma_wait3A_27 = tpu.memref_slice %arg3[%run_scoped3A, %mul3A_6] : memref<2x320000xi32, #tpu.memory_space<hbm>> -> memref<1x9984xi32, #tpu.memory_space<hbm>>
      %dma_wait3A_28 = tpu.memref_squeeze %dma_wait3A_27 : memref<1x9984xi32, #tpu.memory_space<hbm>> -> memref<9984xi32, #tpu.memory_space<hbm>>
      tpu.wait_dma2 semaphore(%run_scoped3A_22 : memref<!tpu.dma_semaphore, #tpu.memory_space<semaphore_mem>>) src(%dma_wait3A_28 : memref<9984xi32, #tpu.memory_space<hbm>>) dst(%arg7 : memref<9984xi32, #tpu.memory_space<vmem>>)
      tpu.yield
    }) : () -> ()
    %mul3A_7 = arith.constant 78 : i32
    %mul3A_8 = arith.muli %add3A, %mul3A_7 : i32
    "tpu.region"() ({
      %run_scoped3A_22 = tpu.sem_alloc : memref<!tpu.dma_semaphore, #tpu.memory_space<semaphore_mem>>
      %dma_start3A = arith.constant 0 : i32
      %dma_start3A_23 = tpu.memref_slice %arg4[%mul3A_8, %dma_start3A] : memref<2500x128xi32, #tpu.memory_space<hbm>> -> memref<78x128xi32, #tpu.memory_space<hbm>>
      %dma_start3A_24 = arith.constant 0 : i32
      %dma_start3A_25 = tpu.memref_slice %arg4[%mul3A_8, %dma_start3A_24] : memref<2500x128xi32, #tpu.memory_space<hbm>> -> memref<78x128xi32, #tpu.memory_space<hbm>>
      tpu.enqueue_dma source(%dma_start3A_25 : memref<78x128xi32, #tpu.memory_space<hbm>>) target(%arg8 : memref<78x128xi32, #tpu.memory_space<vmem>>) target_semaphore(%run_scoped3A_22 : memref<!tpu.dma_semaphore, #tpu.memory_space<semaphore_mem>>)
      %dma_wait3A = arith.constant 0 : i32
      %dma_wait3A_26 = tpu.memref_slice %arg4[%mul3A_8, %dma_wait3A] : memref<2500x128xi32, #tpu.memory_space<hbm>> -> memref<78x128xi32, #tpu.memory_space<hbm>>
      %dma_wait3A_27 = arith.constant 0 : i32
      %dma_wait3A_28 = tpu.memref_slice %arg4[%mul3A_8, %dma_wait3A_27] : memref<2500x128xi32, #tpu.memory_space<hbm>> -> memref<78x128xi32, #tpu.memory_space<hbm>>
      tpu.wait_dma2 semaphore(%run_scoped3A_22 : memref<!tpu.dma_semaphore, #tpu.memory_space<semaphore_mem>>) src(%dma_wait3A_28 : memref<78x128xi32, #tpu.memory_space<hbm>>) dst(%arg8 : memref<78x128xi32, #tpu.memory_space<vmem>>)
      tpu.yield
    }) : () -> ()
    %lt3A = arith.constant 4 : i32
    %lt3A_9 = arith.cmpi slt, %add3A, %lt3A : i32
    %convert_element_type3A = arith.extui %lt3A_9 : i1 to i32
    %cond3A = arith.constant 0 : i32
    %cond3A_10 = arith.cmpi ne, %convert_element_type3A, %cond3A : i32
    scf.if %cond3A_10 {
      %add3A_22 = arith.constant 2496 : i32
      %add3A_23 = arith.addi %add3A_22, %add3A : i32
      %mul3A_24 = arith.constant 128 : i32
      %mul3A_25 = arith.muli %add3A_23, %mul3A_24 : i32
      %run_scoped3A_26 = arith.constant 0 : i32
      "tpu.region"() ({
        %run_scoped3A_29 = tpu.sem_alloc : memref<!tpu.dma_semaphore, #tpu.memory_space<semaphore_mem>>
        %dma_start3A = tpu.memref_slice %arg3[%run_scoped3A_26, %mul3A_25] : memref<2x320000xi32, #tpu.memory_space<hbm>> -> memref<1x128xi32, #tpu.memory_space<hbm>>
        %dma_start3A_30 = tpu.memref_squeeze %dma_start3A : memref<1x128xi32, #tpu.memory_space<hbm>> -> memref<128xi32, #tpu.memory_space<hbm>>
        %dma_start3A_31 = tpu.memref_slice %arg3[%run_scoped3A_26, %mul3A_25] : memref<2x320000xi32, #tpu.memory_space<hbm>> -> memref<1x128xi32, #tpu.memory_space<hbm>>
        %dma_start3A_32 = tpu.memref_squeeze %dma_start3A_31 : memref<1x128xi32, #tpu.memory_space<hbm>> -> memref<128xi32, #tpu.memory_space<hbm>>
        tpu.enqueue_dma source(%dma_start3A_32 : memref<128xi32, #tpu.memory_space<hbm>>) target(%arg9 : memref<128xi32, #tpu.memory_space<vmem>>) target_semaphore(%run_scoped3A_29 : memref<!tpu.dma_semaphore, #tpu.memory_space<semaphore_mem>>)
        %dma_wait3A = tpu.memref_slice %arg3[%run_scoped3A_26, %mul3A_25] : memref<2x320000xi32, #tpu.memory_space<hbm>> -> memref<1x128xi32, #tpu.memory_space<hbm>>
        %dma_wait3A_33 = tpu.memref_squeeze %dma_wait3A : memref<1x128xi32, #tpu.memory_space<hbm>> -> memref<128xi32, #tpu.memory_space<hbm>>
        %dma_wait3A_34 = tpu.memref_slice %arg3[%run_scoped3A_26, %mul3A_25] : memref<2x320000xi32, #tpu.memory_space<hbm>> -> memref<1x128xi32, #tpu.memory_space<hbm>>
        %dma_wait3A_35 = tpu.memref_squeeze %dma_wait3A_34 : memref<1x128xi32, #tpu.memory_space<hbm>> -> memref<128xi32, #tpu.memory_space<hbm>>
        tpu.wait_dma2 semaphore(%run_scoped3A_29 : memref<!tpu.dma_semaphore, #tpu.memory_space<semaphore_mem>>) src(%dma_wait3A_35 : memref<128xi32, #tpu.memory_space<hbm>>) dst(%arg9 : memref<128xi32, #tpu.memory_space<vmem>>)
        tpu.yield
      }) : () -> ()
      %add3A_27 = arith.constant 2496 : i32
      %add3A_28 = arith.addi %add3A_27, %add3A : i32
      "tpu.region"() ({
        %run_scoped3A_29 = tpu.sem_alloc : memref<!tpu.dma_semaphore, #tpu.memory_space<semaphore_mem>>
        %dma_start3A = arith.constant 0 : i32
        %dma_start3A_30 = tpu.memref_slice %arg4[%add3A_28, %dma_start3A] : memref<2500x128xi32, #tpu.memory_space<hbm>> -> memref<1x128xi32, #tpu.memory_space<hbm>>
        %dma_start3A_31 = tpu.memref_squeeze %dma_start3A_30 : memref<1x128xi32, #tpu.memory_space<hbm>> -> memref<128xi32, #tpu.memory_space<hbm>>
        %dma_start3A_32 = arith.constant 0 : i32
        %dma_start3A_33 = tpu.memref_slice %arg4[%add3A_28, %dma_start3A_32] : memref<2500x128xi32, #tpu.memory_space<hbm>> -> memref<1x128xi32, #tpu.memory_space<hbm>>
        %dma_start3A_34 = tpu.memref_squeeze %dma_start3A_33 : memref<1x128xi32, #tpu.memory_space<hbm>> -> memref<128xi32, #tpu.memory_space<hbm>>
        tpu.enqueue_dma source(%dma_start3A_34 : memref<128xi32, #tpu.memory_space<hbm>>) target(%arg10 : memref<128xi32, #tpu.memory_space<vmem>>) target_semaphore(%run_scoped3A_29 : memref<!tpu.dma_semaphore, #tpu.memory_space<semaphore_mem>>)
        %dma_wait3A = arith.constant 0 : i32
        %dma_wait3A_35 = tpu.memref_slice %arg4[%add3A_28, %dma_wait3A] : memref<2500x128xi32, #tpu.memory_space<hbm>> -> memref<1x128xi32, #tpu.memory_space<hbm>>
        %dma_wait3A_36 = tpu.memref_squeeze %dma_wait3A_35 : memref<1x128xi32, #tpu.memory_space<hbm>> -> memref<128xi32, #tpu.memory_space<hbm>>
        %dma_wait3A_37 = arith.constant 0 : i32
        %dma_wait3A_38 = tpu.memref_slice %arg4[%add3A_28, %dma_wait3A_37] : memref<2500x128xi32, #tpu.memory_space<hbm>> -> memref<1x128xi32, #tpu.memory_space<hbm>>
        %dma_wait3A_39 = tpu.memref_squeeze %dma_wait3A_38 : memref<1x128xi32, #tpu.memory_space<hbm>> -> memref<128xi32, #tpu.memory_space<hbm>>
        tpu.wait_dma2 semaphore(%run_scoped3A_29 : memref<!tpu.dma_semaphore, #tpu.memory_space<semaphore_mem>>) src(%dma_wait3A_39 : memref<128xi32, #tpu.memory_space<hbm>>) dst(%arg10 : memref<128xi32, #tpu.memory_space<vmem>>)
        tpu.yield
      }) : () -> ()
    } else {
    }
    %barrier3A = arith.constant 0 : index
    tpu.barrier barrier_id(%barrier3A)
    %scan3A = arith.constant 0 : i32
    %scan3A_11 = arith.constant 0 : i32
    %scan3A_12 = arith.constant 26 : i32
    %scan3A_13 = arith.addi %scan3A_11, %scan3A_12 : i32
    %scan3A_14 = arith.constant 1 : i32
    scf.for %scan3A_22 = %scan3A_11 to %scan3A_13 step %scan3A_14  : i32 {
      %mul3A_23 = arith.constant 3 : i32
      %mul3A_24 = arith.muli %mul3A_23, %scan3A_22 : i32
      %add3A_25 = arith.constant 1 : i32
      %add3A_26 = arith.addi %mul3A_24, %add3A_25 : i32
      %mul3A_27 = arith.constant 128 : i32
      %mul3A_28 = arith.muli %add3A_26, %mul3A_27 : i32
      %add3A_29 = arith.constant 2 : i32
      %add3A_30 = arith.addi %mul3A_24, %add3A_29 : i32
      %mul3A_31 = arith.constant 128 : i32
      %mul3A_32 = arith.muli %add3A_30, %mul3A_31 : i32
      %dma_start3A = tpu.memref_slice %arg7[%mul3A_28] : memref<9984xi32, #tpu.memory_space<vmem>> -> memref<128xi32, #tpu.memory_space<vmem>>
      %dma_start3A_33 = arith.constant 0 : i32
      %dma_start3A_34 = arith.constant 0 : i32
      %dma_start3A_35 = tpu.memref_slice %arg2[%dma_start3A_33, %dma_start3A_34] : memref<10112x16xf32, #tpu.memory_space<hbm>> -> memref<10112x16xf32, #tpu.memory_space<hbm>>
      tpu.enqueue_indirect_dma source(%dma_start3A_35 : memref<10112x16xf32, #tpu.memory_space<hbm>>) target(%arg12 : memref<128x16xf32, #tpu.memory_space<vmem>>) offsets(%dma_start3A : memref<128xi32, #tpu.memory_space<vmem>>) semaphore(%arg17 : memref<!tpu.dma_semaphore, #tpu.memory_space<semaphore_mem>>)
      %dma_start3A_36 = tpu.memref_slice %arg7[%mul3A_32] : memref<9984xi32, #tpu.memory_space<vmem>> -> memref<128xi32, #tpu.memory_space<vmem>>
      %dma_start3A_37 = arith.constant 0 : i32
      %dma_start3A_38 = arith.constant 0 : i32
      %dma_start3A_39 = tpu.memref_slice %arg2[%dma_start3A_37, %dma_start3A_38] : memref<10112x16xf32, #tpu.memory_space<hbm>> -> memref<10112x16xf32, #tpu.memory_space<hbm>>
      tpu.enqueue_indirect_dma source(%dma_start3A_39 : memref<10112x16xf32, #tpu.memory_space<hbm>>) target(%arg13 : memref<128x16xf32, #tpu.memory_space<vmem>>) offsets(%dma_start3A_36 : memref<128xi32, #tpu.memory_space<vmem>>) semaphore(%arg18 : memref<!tpu.dma_semaphore, #tpu.memory_space<semaphore_mem>>)
      %mul3A_40 = arith.constant 128 : i32
      %mul3A_41 = arith.muli %mul3A_24, %mul3A_40 : i32
      %dma_start3A_42 = tpu.memref_slice %arg7[%mul3A_41] : memref<9984xi32, #tpu.memory_space<vmem>> -> memref<128xi32, #tpu.memory_space<vmem>>
      %dma_start3A_43 = arith.constant 0 : i32
      %dma_start3A_44 = arith.constant 0 : i32
      %dma_start3A_45 = tpu.memref_slice %arg14[%dma_start3A_43, %dma_start3A_44] : memref<10112x16xf32, #tpu.memory_space<vmem_shared>> -> memref<10112x16xf32, #tpu.memory_space<vmem_shared>>
      tpu.enqueue_indirect_dma source(%dma_start3A_45 : memref<10112x16xf32, #tpu.memory_space<vmem_shared>>) target(%arg11 : memref<128x16xf32, #tpu.memory_space<vmem>>) offsets(%dma_start3A_42 : memref<128xi32, #tpu.memory_space<vmem>>) semaphore(%arg16 : memref<!tpu.dma_semaphore, #tpu.memory_space<semaphore_mem>>)
      %dma_wait3A = tpu.memref_slice %arg7[%mul3A_41] : memref<9984xi32, #tpu.memory_space<vmem>> -> memref<128xi32, #tpu.memory_space<vmem>>
      %dma_wait3A_46 = arith.constant 0 : i32
      %dma_wait3A_47 = arith.constant 0 : i32
      %dma_wait3A_48 = tpu.memref_slice %arg14[%dma_wait3A_46, %dma_wait3A_47] : memref<10112x16xf32, #tpu.memory_space<vmem_shared>> -> memref<10112x16xf32, #tpu.memory_space<vmem_shared>>
      tpu.wait_indirect_dma semaphore(%arg16 : memref<!tpu.dma_semaphore, #tpu.memory_space<semaphore_mem>>) src(%dma_wait3A_48 : memref<10112x16xf32, #tpu.memory_space<vmem_shared>>) dst(%arg11 : memref<128x16xf32, #tpu.memory_space<vmem>>)
      "tpu.region"() ({
        %run_scoped3A_61 = tpu.sem_alloc : memref<!tpu.dma_semaphore, #tpu.memory_space<semaphore_mem>>
        %dma_start3A_62 = arith.constant 0 : i32
        %dma_start3A_63 = tpu.memref_slice %arg8[%mul3A_24, %dma_start3A_62] : memref<78x128xi32, #tpu.memory_space<vmem>> -> memref<1x128xi32, #tpu.memory_space<vmem>>
        %dma_start3A_64 = tpu.memref_squeeze %dma_start3A_63 : memref<1x128xi32, #tpu.memory_space<vmem>> -> memref<128xi32, #tpu.memory_space<vmem>>
        %dma_start3A_65 = arith.constant 0 : i32
        %dma_start3A_66 = arith.constant 0 : i32
        %dma_start3A_67 = tpu.memref_slice %arg15[%dma_start3A_65, %dma_start3A_66] : memref<10112x16xf32, #tpu.memory_space<vmem_shared>> -> memref<10112x16xf32, #tpu.memory_space<vmem_shared>>
        tpu.enqueue_indirect_dma source(%arg11 : memref<128x16xf32, #tpu.memory_space<vmem>>) target(%dma_start3A_67 : memref<10112x16xf32, #tpu.memory_space<vmem_shared>>) offsets(%dma_start3A_64 : memref<128xi32, #tpu.memory_space<vmem>>) semaphore(%run_scoped3A_61 : memref<!tpu.dma_semaphore, #tpu.memory_space<semaphore_mem>>) {add = true}
        %dma_wait3A_68 = arith.constant 0 : i32
        %dma_wait3A_69 = tpu.memref_slice %arg8[%mul3A_24, %dma_wait3A_68] : memref<78x128xi32, #tpu.memory_space<vmem>> -> memref<1x128xi32, #tpu.memory_space<vmem>>
        %dma_wait3A_70 = tpu.memref_squeeze %dma_wait3A_69 : memref<1x128xi32, #tpu.memory_space<vmem>> -> memref<128xi32, #tpu.memory_space<vmem>>
        %dma_wait3A_71 = arith.constant 0 : i32
        %dma_wait3A_72 = arith.constant 0 : i32
        %dma_wait3A_73 = tpu.memref_slice %arg15[%dma_wait3A_71, %dma_wait3A_72] : memref<10112x16xf32, #tpu.memory_space<vmem_shared>> -> memref<10112x16xf32, #tpu.memory_space<vmem_shared>>
        tpu.wait_indirect_dma semaphore(%run_scoped3A_61 : memref<!tpu.dma_semaphore, #tpu.memory_space<semaphore_mem>>) src(%arg11 : memref<128x16xf32, #tpu.memory_space<vmem>>) dst(%dma_wait3A_73 : memref<10112x16xf32, #tpu.memory_space<vmem_shared>>)
        tpu.yield
      }) : () -> ()
      %dma_wait3A_49 = tpu.memref_slice %arg7[%mul3A_28] : memref<9984xi32, #tpu.memory_space<vmem>> -> memref<128xi32, #tpu.memory_space<vmem>>
      %dma_wait3A_50 = arith.constant 0 : i32
      %dma_wait3A_51 = arith.constant 0 : i32
      %dma_wait3A_52 = tpu.memref_slice %arg2[%dma_wait3A_50, %dma_wait3A_51] : memref<10112x16xf32, #tpu.memory_space<hbm>> -> memref<10112x16xf32, #tpu.memory_space<hbm>>
      tpu.wait_indirect_dma semaphore(%arg17 : memref<!tpu.dma_semaphore, #tpu.memory_space<semaphore_mem>>) src(%dma_wait3A_52 : memref<10112x16xf32, #tpu.memory_space<hbm>>) dst(%arg12 : memref<128x16xf32, #tpu.memory_space<vmem>>)
      %add3A_53 = arith.constant 1 : i32
      %add3A_54 = arith.addi %mul3A_24, %add3A_53 : i32
      "tpu.region"() ({
        %run_scoped3A_61 = tpu.sem_alloc : memref<!tpu.dma_semaphore, #tpu.memory_space<semaphore_mem>>
        %dma_start3A_62 = arith.constant 0 : i32
        %dma_start3A_63 = tpu.memref_slice %arg8[%add3A_54, %dma_start3A_62] : memref<78x128xi32, #tpu.memory_space<vmem>> -> memref<1x128xi32, #tpu.memory_space<vmem>>
        %dma_start3A_64 = tpu.memref_squeeze %dma_start3A_63 : memref<1x128xi32, #tpu.memory_space<vmem>> -> memref<128xi32, #tpu.memory_space<vmem>>
        %dma_start3A_65 = arith.constant 0 : i32
        %dma_start3A_66 = arith.constant 0 : i32
        %dma_start3A_67 = tpu.memref_slice %arg15[%dma_start3A_65, %dma_start3A_66] : memref<10112x16xf32, #tpu.memory_space<vmem_shared>> -> memref<10112x16xf32, #tpu.memory_space<vmem_shared>>
        tpu.enqueue_indirect_dma source(%arg12 : memref<128x16xf32, #tpu.memory_space<vmem>>) target(%dma_start3A_67 : memref<10112x16xf32, #tpu.memory_space<vmem_shared>>) offsets(%dma_start3A_64 : memref<128xi32, #tpu.memory_space<vmem>>) semaphore(%run_scoped3A_61 : memref<!tpu.dma_semaphore, #tpu.memory_space<semaphore_mem>>) {add = true}
        %dma_wait3A_68 = arith.constant 0 : i32
        %dma_wait3A_69 = tpu.memref_slice %arg8[%add3A_54, %dma_wait3A_68] : memref<78x128xi32, #tpu.memory_space<vmem>> -> memref<1x128xi32, #tpu.memory_space<vmem>>
        %dma_wait3A_70 = tpu.memref_squeeze %dma_wait3A_69 : memref<1x128xi32, #tpu.memory_space<vmem>> -> memref<128xi32, #tpu.memory_space<vmem>>
        %dma_wait3A_71 = arith.constant 0 : i32
        %dma_wait3A_72 = arith.constant 0 : i32
        %dma_wait3A_73 = tpu.memref_slice %arg15[%dma_wait3A_71, %dma_wait3A_72] : memref<10112x16xf32, #tpu.memory_space<vmem_shared>> -> memref<10112x16xf32, #tpu.memory_space<vmem_shared>>
        tpu.wait_indirect_dma semaphore(%run_scoped3A_61 : memref<!tpu.dma_semaphore, #tpu.memory_space<semaphore_mem>>) src(%arg12 : memref<128x16xf32, #tpu.memory_space<vmem>>) dst(%dma_wait3A_73 : memref<10112x16xf32, #tpu.memory_space<vmem_shared>>)
        tpu.yield
      }) : () -> ()
      %dma_wait3A_55 = tpu.memref_slice %arg7[%mul3A_32] : memref<9984xi32, #tpu.memory_space<vmem>> -> memref<128xi32, #tpu.memory_space<vmem>>
      %dma_wait3A_56 = arith.constant 0 : i32
      %dma_wait3A_57 = arith.constant 0 : i32
      %dma_wait3A_58 = tpu.memref_slice %arg2[%dma_wait3A_56, %dma_wait3A_57] : memref<10112x16xf32, #tpu.memory_space<hbm>> -> memref<10112x16xf32, #tpu.memory_space<hbm>>
      tpu.wait_indirect_dma semaphore(%arg18 : memref<!tpu.dma_semaphore, #tpu.memory_space<semaphore_mem>>) src(%dma_wait3A_58 : memref<10112x16xf32, #tpu.memory_space<hbm>>) dst(%arg13 : memref<128x16xf32, #tpu.memory_space<vmem>>)
      %add3A_59 = arith.constant 2 : i32
      %add3A_60 = arith.addi %mul3A_24, %add3A_59 : i32
      "tpu.region"() ({
        %run_scoped3A_61 = tpu.sem_alloc : memref<!tpu.dma_semaphore, #tpu.memory_space<semaphore_mem>>
        %dma_start3A_62 = arith.constant 0 : i32
        %dma_start3A_63 = tpu.memref_slice %arg8[%add3A_60, %dma_start3A_62] : memref<78x128xi32, #tpu.memory_space<vmem>> -> memref<1x128xi32, #tpu.memory_space<vmem>>
        %dma_start3A_64 = tpu.memref_squeeze %dma_start3A_63 : memref<1x128xi32, #tpu.memory_space<vmem>> -> memref<128xi32, #tpu.memory_space<vmem>>
        %dma_start3A_65 = arith.constant 0 : i32
        %dma_start3A_66 = arith.constant 0 : i32
        %dma_start3A_67 = tpu.memref_slice %arg15[%dma_start3A_65, %dma_start3A_66] : memref<10112x16xf32, #tpu.memory_space<vmem_shared>> -> memref<10112x16xf32, #tpu.memory_space<vmem_shared>>
        tpu.enqueue_indirect_dma source(%arg13 : memref<128x16xf32, #tpu.memory_space<vmem>>) target(%dma_start3A_67 : memref<10112x16xf32, #tpu.memory_space<vmem_shared>>) offsets(%dma_start3A_64 : memref<128xi32, #tpu.memory_space<vmem>>) semaphore(%run_scoped3A_61 : memref<!tpu.dma_semaphore, #tpu.memory_space<semaphore_mem>>) {add = true}
        %dma_wait3A_68 = arith.constant 0 : i32
        %dma_wait3A_69 = tpu.memref_slice %arg8[%add3A_60, %dma_wait3A_68] : memref<78x128xi32, #tpu.memory_space<vmem>> -> memref<1x128xi32, #tpu.memory_space<vmem>>
        %dma_wait3A_70 = tpu.memref_squeeze %dma_wait3A_69 : memref<1x128xi32, #tpu.memory_space<vmem>> -> memref<128xi32, #tpu.memory_space<vmem>>
        %dma_wait3A_71 = arith.constant 0 : i32
        %dma_wait3A_72 = arith.constant 0 : i32
        %dma_wait3A_73 = tpu.memref_slice %arg15[%dma_wait3A_71, %dma_wait3A_72] : memref<10112x16xf32, #tpu.memory_space<vmem_shared>> -> memref<10112x16xf32, #tpu.memory_space<vmem_shared>>
        tpu.wait_indirect_dma semaphore(%run_scoped3A_61 : memref<!tpu.dma_semaphore, #tpu.memory_space<semaphore_mem>>) src(%arg13 : memref<128x16xf32, #tpu.memory_space<vmem>>) dst(%dma_wait3A_73 : memref<10112x16xf32, #tpu.memory_space<vmem_shared>>)
        tpu.yield
      }) : () -> ()
    }
    %scan3A_15 = arith.constant 26 : i32
    %lt3A_16 = arith.constant 4 : i32
    %lt3A_17 = arith.cmpi slt, %add3A, %lt3A_16 : i32
    %convert_element_type3A_18 = arith.extui %lt3A_17 : i1 to i32
    %cond3A_19 = arith.constant 0 : i32
    %cond3A_20 = arith.cmpi ne, %convert_element_type3A_18, %cond3A_19 : i32
    scf.if %cond3A_20 {
      %dma_start3A = arith.constant 0 : i32
      %dma_start3A_22 = arith.constant 0 : i32
      %dma_start3A_23 = tpu.memref_slice %arg14[%dma_start3A, %dma_start3A_22] : memref<10112x16xf32, #tpu.memory_space<vmem_shared>> -> memref<10112x16xf32, #tpu.memory_space<vmem_shared>>
      tpu.enqueue_indirect_dma source(%dma_start3A_23 : memref<10112x16xf32, #tpu.memory_space<vmem_shared>>) target(%arg11 : memref<128x16xf32, #tpu.memory_space<vmem>>) offsets(%arg9 : memref<128xi32, #tpu.memory_space<vmem>>) semaphore(%arg16 : memref<!tpu.dma_semaphore, #tpu.memory_space<semaphore_mem>>)
      %dma_wait3A = arith.constant 0 : i32
      %dma_wait3A_24 = arith.constant 0 : i32
      %dma_wait3A_25 = tpu.memref_slice %arg14[%dma_wait3A, %dma_wait3A_24] : memref<10112x16xf32, #tpu.memory_space<vmem_shared>> -> memref<10112x16xf32, #tpu.memory_space<vmem_shared>>
      tpu.wait_indirect_dma semaphore(%arg16 : memref<!tpu.dma_semaphore, #tpu.memory_space<semaphore_mem>>) src(%dma_wait3A_25 : memref<10112x16xf32, #tpu.memory_space<vmem_shared>>) dst(%arg11 : memref<128x16xf32, #tpu.memory_space<vmem>>)
      "tpu.region"() ({
        %run_scoped3A_26 = tpu.sem_alloc : memref<!tpu.dma_semaphore, #tpu.memory_space<semaphore_mem>>
        %dma_start3A_27 = arith.constant 0 : i32
        %dma_start3A_28 = arith.constant 0 : i32
        %dma_start3A_29 = tpu.memref_slice %arg15[%dma_start3A_27, %dma_start3A_28] : memref<10112x16xf32, #tpu.memory_space<vmem_shared>> -> memref<10112x16xf32, #tpu.memory_space<vmem_shared>>
        tpu.enqueue_indirect_dma source(%arg11 : memref<128x16xf32, #tpu.memory_space<vmem>>) target(%dma_start3A_29 : memref<10112x16xf32, #tpu.memory_space<vmem_shared>>) offsets(%arg10 : memref<128xi32, #tpu.memory_space<vmem>>) semaphore(%run_scoped3A_26 : memref<!tpu.dma_semaphore, #tpu.memory_space<semaphore_mem>>) {add = true}
        %dma_wait3A_30 = arith.constant 0 : i32
        %dma_wait3A_31 = arith.constant 0 : i32
        %dma_wait3A_32 = tpu.memref_slice %arg15[%dma_wait3A_30, %dma_wait3A_31] : memref<10112x16xf32, #tpu.memory_space<vmem_shared>> -> memref<10112x16xf32, #tpu.memory_space<vmem_shared>>
        tpu.wait_indirect_dma semaphore(%run_scoped3A_26 : memref<!tpu.dma_semaphore, #tpu.memory_space<semaphore_mem>>) src(%arg11 : memref<128x16xf32, #tpu.memory_space<vmem>>) dst(%dma_wait3A_32 : memref<10112x16xf32, #tpu.memory_space<vmem_shared>>)
        tpu.yield
      }) : () -> ()
    } else {
    }
    %barrier3A_21 = arith.constant 0 : index
    tpu.barrier barrier_id(%barrier3A_21)
    "tpu.region"() ({
      %run_scoped3A_22 = tpu.sem_alloc : memref<!tpu.dma_semaphore, #tpu.memory_space<semaphore_mem>>
      %dma_start3A = arith.constant 0 : i32
      %dma_start3A_23 = tpu.memref_slice %arg6[%arg0, %mul3A_2, %dma_start3A] : memref<2x10112x16xf32, #tpu.memory_space<hbm>> -> memref<1x632x16xf32, #tpu.memory_space<hbm>>
      %dma_start3A_24 = tpu.memref_squeeze %dma_start3A_23 : memref<1x632x16xf32, #tpu.memory_space<hbm>> -> memref<632x16xf32, #tpu.memory_space<hbm>>
      %dma_start3A_25 = arith.constant 0 : i32
      %dma_start3A_26 = tpu.memref_slice %arg15[%mul3A_2, %dma_start3A_25] : memref<10112x16xf32, #tpu.memory_space<vmem_shared>> -> memref<632x16xf32, #tpu.memory_space<vmem_shared>>
      tpu.enqueue_dma source(%dma_start3A_26 : memref<632x16xf32, #tpu.memory_space<vmem_shared>>) target(%dma_start3A_24 : memref<632x16xf32, #tpu.memory_space<hbm>>) target_semaphore(%run_scoped3A_22 : memref<!tpu.dma_semaphore, #tpu.memory_space<semaphore_mem>>)
      %dma_wait3A = arith.constant 0 : i32
      %dma_wait3A_27 = tpu.memref_slice %arg6[%arg0, %mul3A_2, %dma_wait3A] : memref<2x10112x16xf32, #tpu.memory_space<hbm>> -> memref<1x632x16xf32, #tpu.memory_space<hbm>>
      %dma_wait3A_28 = tpu.memref_squeeze %dma_wait3A_27 : memref<1x632x16xf32, #tpu.memory_space<hbm>> -> memref<632x16xf32, #tpu.memory_space<hbm>>
      %dma_wait3A_29 = arith.constant 0 : i32
      %dma_wait3A_30 = tpu.memref_slice %arg15[%mul3A_2, %dma_wait3A_29] : memref<10112x16xf32, #tpu.memory_space<vmem_shared>> -> memref<632x16xf32, #tpu.memory_space<vmem_shared>>
      tpu.wait_dma2 semaphore(%run_scoped3A_22 : memref<!tpu.dma_semaphore, #tpu.memory_space<semaphore_mem>>) src(%dma_wait3A_30 : memref<632x16xf32, #tpu.memory_space<vmem_shared>>) dst(%dma_wait3A_28 : memref<632x16xf32, #tpu.memory_space<hbm>>)
      tpu.yield
    }) : () -> ()
    return
  }
}

#map = affine_map<(d0, d1) -> (0, 0)>
#map1 = affine_map<(d0, d1) -> (0, 0, 0)>
module attributes {stable_mosaic.version = 14 : i64} {
  func.func @deg(%arg0: i32, %arg1: i32, %arg2: memref<2500x128xi32, #tpu.memory_space<hbm>>, %arg3: memref<128x8xf32, #tpu.memory_space<hbm>>, %arg4: memref<10112x8xf32, #tpu.memory_space<hbm>>, %arg5: memref<2x10112x8xf32, #tpu.memory_space<hbm>>, %arg6: memref<78x128xi32, #tpu.memory_space<vmem>>, %arg7: memref<128xi32, #tpu.memory_space<vmem>>, %arg8: memref<128x8xf32, #tpu.memory_space<vmem>>, %arg9: memref<10112x8xf32, #tpu.memory_space<vmem_shared>>) attributes {dimension_semantics = [#tpu.dimension_semantics<core_parallel>, #tpu.dimension_semantics<subcore_parallel>], iteration_bounds = array<i64: 2, 16>, scalar_prefetch = 0 : i64, scratch_operands = 4 : i64, tpu.core_type = #tpu.core_type<sc_vector_subcore>, window_params = [{transform_indices = #map}, {transform_indices = #map}, {transform_indices = #map}, {transform_indices = #map1}]} {
    %mul3A = arith.constant 16 : i32
    %mul3A_0 = arith.muli %arg0, %mul3A : i32
    %add3A = arith.addi %mul3A_0, %arg1 : i32
    "tpu.region"() ({
      %run_scoped3A = tpu.sem_alloc : memref<!tpu.dma_semaphore, #tpu.memory_space<semaphore_mem>>
      tpu.enqueue_dma source(%arg3 : memref<128x8xf32, #tpu.memory_space<hbm>>) target(%arg8 : memref<128x8xf32, #tpu.memory_space<vmem>>) target_semaphore(%run_scoped3A : memref<!tpu.dma_semaphore, #tpu.memory_space<semaphore_mem>>)
      tpu.wait_dma2 semaphore(%run_scoped3A : memref<!tpu.dma_semaphore, #tpu.memory_space<semaphore_mem>>) src(%arg3 : memref<128x8xf32, #tpu.memory_space<hbm>>) dst(%arg8 : memref<128x8xf32, #tpu.memory_space<vmem>>)
      tpu.yield
    }) : () -> ()
    %mul3A_1 = arith.constant 632 : i32
    %mul3A_2 = arith.muli %arg1, %mul3A_1 : i32
    "tpu.region"() ({
      %run_scoped3A = tpu.sem_alloc : memref<!tpu.dma_semaphore, #tpu.memory_space<semaphore_mem>>
      %dma_start3A = arith.constant 0 : i32
      %dma_start3A_18 = tpu.memref_slice %arg9[%mul3A_2, %dma_start3A] : memref<10112x8xf32, #tpu.memory_space<vmem_shared>> -> memref<632x8xf32, #tpu.memory_space<vmem_shared>>
      %dma_start3A_19 = arith.constant 0 : i32
      %dma_start3A_20 = arith.constant 0 : i32
      %dma_start3A_21 = tpu.memref_slice %arg4[%dma_start3A_19, %dma_start3A_20] : memref<10112x8xf32, #tpu.memory_space<hbm>> -> memref<632x8xf32, #tpu.memory_space<hbm>>
      tpu.enqueue_dma source(%dma_start3A_21 : memref<632x8xf32, #tpu.memory_space<hbm>>) target(%dma_start3A_18 : memref<632x8xf32, #tpu.memory_space<vmem_shared>>) target_semaphore(%run_scoped3A : memref<!tpu.dma_semaphore, #tpu.memory_space<semaphore_mem>>)
      %dma_wait3A = arith.constant 0 : i32
      %dma_wait3A_22 = tpu.memref_slice %arg9[%mul3A_2, %dma_wait3A] : memref<10112x8xf32, #tpu.memory_space<vmem_shared>> -> memref<632x8xf32, #tpu.memory_space<vmem_shared>>
      %dma_wait3A_23 = arith.constant 0 : i32
      %dma_wait3A_24 = arith.constant 0 : i32
      %dma_wait3A_25 = tpu.memref_slice %arg4[%dma_wait3A_23, %dma_wait3A_24] : memref<10112x8xf32, #tpu.memory_space<hbm>> -> memref<632x8xf32, #tpu.memory_space<hbm>>
      tpu.wait_dma2 semaphore(%run_scoped3A : memref<!tpu.dma_semaphore, #tpu.memory_space<semaphore_mem>>) src(%dma_wait3A_25 : memref<632x8xf32, #tpu.memory_space<hbm>>) dst(%dma_wait3A_22 : memref<632x8xf32, #tpu.memory_space<vmem_shared>>)
      tpu.yield
    }) : () -> ()
    %mul3A_3 = arith.constant 78 : i32
    %mul3A_4 = arith.muli %add3A, %mul3A_3 : i32
    "tpu.region"() ({
      %run_scoped3A = tpu.sem_alloc : memref<!tpu.dma_semaphore, #tpu.memory_space<semaphore_mem>>
      %dma_start3A = arith.constant 0 : i32
      %dma_start3A_18 = tpu.memref_slice %arg2[%mul3A_4, %dma_start3A] : memref<2500x128xi32, #tpu.memory_space<hbm>> -> memref<78x128xi32, #tpu.memory_space<hbm>>
      %dma_start3A_19 = arith.constant 0 : i32
      %dma_start3A_20 = tpu.memref_slice %arg2[%mul3A_4, %dma_start3A_19] : memref<2500x128xi32, #tpu.memory_space<hbm>> -> memref<78x128xi32, #tpu.memory_space<hbm>>
      tpu.enqueue_dma source(%dma_start3A_20 : memref<78x128xi32, #tpu.memory_space<hbm>>) target(%arg6 : memref<78x128xi32, #tpu.memory_space<vmem>>) target_semaphore(%run_scoped3A : memref<!tpu.dma_semaphore, #tpu.memory_space<semaphore_mem>>)
      %dma_wait3A = arith.constant 0 : i32
      %dma_wait3A_21 = tpu.memref_slice %arg2[%mul3A_4, %dma_wait3A] : memref<2500x128xi32, #tpu.memory_space<hbm>> -> memref<78x128xi32, #tpu.memory_space<hbm>>
      %dma_wait3A_22 = arith.constant 0 : i32
      %dma_wait3A_23 = tpu.memref_slice %arg2[%mul3A_4, %dma_wait3A_22] : memref<2500x128xi32, #tpu.memory_space<hbm>> -> memref<78x128xi32, #tpu.memory_space<hbm>>
      tpu.wait_dma2 semaphore(%run_scoped3A : memref<!tpu.dma_semaphore, #tpu.memory_space<semaphore_mem>>) src(%dma_wait3A_23 : memref<78x128xi32, #tpu.memory_space<hbm>>) dst(%arg6 : memref<78x128xi32, #tpu.memory_space<vmem>>)
      tpu.yield
    }) : () -> ()
    %lt3A = arith.constant 4 : i32
    %lt3A_5 = arith.cmpi slt, %add3A, %lt3A : i32
    %convert_element_type3A = arith.extui %lt3A_5 : i1 to i32
    %cond3A = arith.constant 0 : i32
    %cond3A_6 = arith.cmpi ne, %convert_element_type3A, %cond3A : i32
    scf.if %cond3A_6 {
      %add3A_18 = arith.constant 2496 : i32
      %add3A_19 = arith.addi %add3A_18, %add3A : i32
      "tpu.region"() ({
        %run_scoped3A = tpu.sem_alloc : memref<!tpu.dma_semaphore, #tpu.memory_space<semaphore_mem>>
        %dma_start3A = arith.constant 0 : i32
        %dma_start3A_20 = tpu.memref_slice %arg2[%add3A_19, %dma_start3A] : memref<2500x128xi32, #tpu.memory_space<hbm>> -> memref<1x128xi32, #tpu.memory_space<hbm>>
        %dma_start3A_21 = tpu.memref_squeeze %dma_start3A_20 : memref<1x128xi32, #tpu.memory_space<hbm>> -> memref<128xi32, #tpu.memory_space<hbm>>
        %dma_start3A_22 = arith.constant 0 : i32
        %dma_start3A_23 = tpu.memref_slice %arg2[%add3A_19, %dma_start3A_22] : memref<2500x128xi32, #tpu.memory_space<hbm>> -> memref<1x128xi32, #tpu.memory_space<hbm>>
        %dma_start3A_24 = tpu.memref_squeeze %dma_start3A_23 : memref<1x128xi32, #tpu.memory_space<hbm>> -> memref<128xi32, #tpu.memory_space<hbm>>
        tpu.enqueue_dma source(%dma_start3A_24 : memref<128xi32, #tpu.memory_space<hbm>>) target(%arg7 : memref<128xi32, #tpu.memory_space<vmem>>) target_semaphore(%run_scoped3A : memref<!tpu.dma_semaphore, #tpu.memory_space<semaphore_mem>>)
        %dma_wait3A = arith.constant 0 : i32
        %dma_wait3A_25 = tpu.memref_slice %arg2[%add3A_19, %dma_wait3A] : memref<2500x128xi32, #tpu.memory_space<hbm>> -> memref<1x128xi32, #tpu.memory_space<hbm>>
        %dma_wait3A_26 = tpu.memref_squeeze %dma_wait3A_25 : memref<1x128xi32, #tpu.memory_space<hbm>> -> memref<128xi32, #tpu.memory_space<hbm>>
        %dma_wait3A_27 = arith.constant 0 : i32
        %dma_wait3A_28 = tpu.memref_slice %arg2[%add3A_19, %dma_wait3A_27] : memref<2500x128xi32, #tpu.memory_space<hbm>> -> memref<1x128xi32, #tpu.memory_space<hbm>>
        %dma_wait3A_29 = tpu.memref_squeeze %dma_wait3A_28 : memref<1x128xi32, #tpu.memory_space<hbm>> -> memref<128xi32, #tpu.memory_space<hbm>>
        tpu.wait_dma2 semaphore(%run_scoped3A : memref<!tpu.dma_semaphore, #tpu.memory_space<semaphore_mem>>) src(%dma_wait3A_29 : memref<128xi32, #tpu.memory_space<hbm>>) dst(%arg7 : memref<128xi32, #tpu.memory_space<vmem>>)
        tpu.yield
      }) : () -> ()
    } else {
    }
    %barrier3A = arith.constant 0 : index
    tpu.barrier barrier_id(%barrier3A)
    %scan3A = arith.constant 0 : i32
    %scan3A_7 = arith.constant 0 : i32
    %scan3A_8 = arith.constant 78 : i32
    %scan3A_9 = arith.addi %scan3A_7, %scan3A_8 : i32
    %scan3A_10 = arith.constant 1 : i32
    scf.for %scan3A_18 = %scan3A_7 to %scan3A_9 step %scan3A_10  : i32 {
      "tpu.region"() ({
        %run_scoped3A = tpu.sem_alloc : memref<!tpu.dma_semaphore, #tpu.memory_space<semaphore_mem>>
        %dma_start3A = arith.constant 0 : i32
        %dma_start3A_19 = tpu.memref_slice %arg6[%scan3A_18, %dma_start3A] : memref<78x128xi32, #tpu.memory_space<vmem>> -> memref<1x128xi32, #tpu.memory_space<vmem>>
        %dma_start3A_20 = tpu.memref_squeeze %dma_start3A_19 : memref<1x128xi32, #tpu.memory_space<vmem>> -> memref<128xi32, #tpu.memory_space<vmem>>
        %dma_start3A_21 = arith.constant 0 : i32
        %dma_start3A_22 = arith.constant 0 : i32
        %dma_start3A_23 = tpu.memref_slice %arg9[%dma_start3A_21, %dma_start3A_22] : memref<10112x8xf32, #tpu.memory_space<vmem_shared>> -> memref<10112x8xf32, #tpu.memory_space<vmem_shared>>
        tpu.enqueue_indirect_dma source(%arg8 : memref<128x8xf32, #tpu.memory_space<vmem>>) target(%dma_start3A_23 : memref<10112x8xf32, #tpu.memory_space<vmem_shared>>) offsets(%dma_start3A_20 : memref<128xi32, #tpu.memory_space<vmem>>) semaphore(%run_scoped3A : memref<!tpu.dma_semaphore, #tpu.memory_space<semaphore_mem>>) {add = true}
        %dma_wait3A = arith.constant 0 : i32
        %dma_wait3A_24 = tpu.memref_slice %arg6[%scan3A_18, %dma_wait3A] : memref<78x128xi32, #tpu.memory_space<vmem>> -> memref<1x128xi32, #tpu.memory_space<vmem>>
        %dma_wait3A_25 = tpu.memref_squeeze %dma_wait3A_24 : memref<1x128xi32, #tpu.memory_space<vmem>> -> memref<128xi32, #tpu.memory_space<vmem>>
        %dma_wait3A_26 = arith.constant 0 : i32
        %dma_wait3A_27 = arith.constant 0 : i32
        %dma_wait3A_28 = tpu.memref_slice %arg9[%dma_wait3A_26, %dma_wait3A_27] : memref<10112x8xf32, #tpu.memory_space<vmem_shared>> -> memref<10112x8xf32, #tpu.memory_space<vmem_shared>>
        tpu.wait_indirect_dma semaphore(%run_scoped3A : memref<!tpu.dma_semaphore, #tpu.memory_space<semaphore_mem>>) src(%arg8 : memref<128x8xf32, #tpu.memory_space<vmem>>) dst(%dma_wait3A_28 : memref<10112x8xf32, #tpu.memory_space<vmem_shared>>)
        tpu.yield
      }) : () -> ()
    }
    %scan3A_11 = arith.constant 78 : i32
    %lt3A_12 = arith.constant 4 : i32
    %lt3A_13 = arith.cmpi slt, %add3A, %lt3A_12 : i32
    %convert_element_type3A_14 = arith.extui %lt3A_13 : i1 to i32
    %cond3A_15 = arith.constant 0 : i32
    %cond3A_16 = arith.cmpi ne, %convert_element_type3A_14, %cond3A_15 : i32
    scf.if %cond3A_16 {
      "tpu.region"() ({
        %run_scoped3A = tpu.sem_alloc : memref<!tpu.dma_semaphore, #tpu.memory_space<semaphore_mem>>
        %dma_start3A = arith.constant 0 : i32
        %dma_start3A_18 = arith.constant 0 : i32
        %dma_start3A_19 = tpu.memref_slice %arg9[%dma_start3A, %dma_start3A_18] : memref<10112x8xf32, #tpu.memory_space<vmem_shared>> -> memref<10112x8xf32, #tpu.memory_space<vmem_shared>>
        tpu.enqueue_indirect_dma source(%arg8 : memref<128x8xf32, #tpu.memory_space<vmem>>) target(%dma_start3A_19 : memref<10112x8xf32, #tpu.memory_space<vmem_shared>>) offsets(%arg7 : memref<128xi32, #tpu.memory_space<vmem>>) semaphore(%run_scoped3A : memref<!tpu.dma_semaphore, #tpu.memory_space<semaphore_mem>>) {add = true}
        %dma_wait3A = arith.constant 0 : i32
        %dma_wait3A_20 = arith.constant 0 : i32
        %dma_wait3A_21 = tpu.memref_slice %arg9[%dma_wait3A, %dma_wait3A_20] : memref<10112x8xf32, #tpu.memory_space<vmem_shared>> -> memref<10112x8xf32, #tpu.memory_space<vmem_shared>>
        tpu.wait_indirect_dma semaphore(%run_scoped3A : memref<!tpu.dma_semaphore, #tpu.memory_space<semaphore_mem>>) src(%arg8 : memref<128x8xf32, #tpu.memory_space<vmem>>) dst(%dma_wait3A_21 : memref<10112x8xf32, #tpu.memory_space<vmem_shared>>)
        tpu.yield
      }) : () -> ()
    } else {
    }
    %barrier3A_17 = arith.constant 0 : index
    tpu.barrier barrier_id(%barrier3A_17)
    "tpu.region"() ({
      %run_scoped3A = tpu.sem_alloc : memref<!tpu.dma_semaphore, #tpu.memory_space<semaphore_mem>>
      %dma_start3A = arith.constant 0 : i32
      %dma_start3A_18 = tpu.memref_slice %arg5[%arg0, %mul3A_2, %dma_start3A] : memref<2x10112x8xf32, #tpu.memory_space<hbm>> -> memref<1x632x8xf32, #tpu.memory_space<hbm>>
      %dma_start3A_19 = tpu.memref_squeeze %dma_start3A_18 : memref<1x632x8xf32, #tpu.memory_space<hbm>> -> memref<632x8xf32, #tpu.memory_space<hbm>>
      %dma_start3A_20 = arith.constant 0 : i32
      %dma_start3A_21 = tpu.memref_slice %arg9[%mul3A_2, %dma_start3A_20] : memref<10112x8xf32, #tpu.memory_space<vmem_shared>> -> memref<632x8xf32, #tpu.memory_space<vmem_shared>>
      tpu.enqueue_dma source(%dma_start3A_21 : memref<632x8xf32, #tpu.memory_space<vmem_shared>>) target(%dma_start3A_19 : memref<632x8xf32, #tpu.memory_space<hbm>>) target_semaphore(%run_scoped3A : memref<!tpu.dma_semaphore, #tpu.memory_space<semaphore_mem>>)
      %dma_wait3A = arith.constant 0 : i32
      %dma_wait3A_22 = tpu.memref_slice %arg5[%arg0, %mul3A_2, %dma_wait3A] : memref<2x10112x8xf32, #tpu.memory_space<hbm>> -> memref<1x632x8xf32, #tpu.memory_space<hbm>>
      %dma_wait3A_23 = tpu.memref_squeeze %dma_wait3A_22 : memref<1x632x8xf32, #tpu.memory_space<hbm>> -> memref<632x8xf32, #tpu.memory_space<hbm>>
      %dma_wait3A_24 = arith.constant 0 : i32
      %dma_wait3A_25 = tpu.memref_slice %arg9[%mul3A_2, %dma_wait3A_24] : memref<10112x8xf32, #tpu.memory_space<vmem_shared>> -> memref<632x8xf32, #tpu.memory_space<vmem_shared>>
      tpu.wait_dma2 semaphore(%run_scoped3A : memref<!tpu.dma_semaphore, #tpu.memory_space<semaphore_mem>>) src(%dma_wait3A_25 : memref<632x8xf32, #tpu.memory_space<vmem_shared>>) dst(%dma_wait3A_23 : memref<632x8xf32, #tpu.memory_space<hbm>>)
      tpu.yield
    }) : () -> ()
    return
  }
}

#map = affine_map<(d0, d1) -> (0, 0)>
#map1 = affine_map<(d0, d1) -> (0, 0, 0)>
module attributes {stable_mosaic.version = 14 : i64} {
  func.func @agg(%arg0: i32, %arg1: i32, %arg2: memref<10112x64xf32, #tpu.memory_space<hbm>>, %arg3: memref<2x320000xi32, #tpu.memory_space<hbm>>, %arg4: memref<2500x128xi32, #tpu.memory_space<hbm>>, %arg5: memref<10112x64xf32, #tpu.memory_space<hbm>>, %arg6: memref<2x10112x64xf32, #tpu.memory_space<hbm>>, %arg7: memref<9984xi32, #tpu.memory_space<vmem>>, %arg8: memref<78x128xi32, #tpu.memory_space<vmem>>, %arg9: memref<128xi32, #tpu.memory_space<vmem>>, %arg10: memref<128xi32, #tpu.memory_space<vmem>>, %arg11: memref<128x64xf32, #tpu.memory_space<vmem>>, %arg12: memref<128x64xf32, #tpu.memory_space<vmem>>, %arg13: memref<128x64xf32, #tpu.memory_space<vmem>>, %arg14: memref<10112x64xf32, #tpu.memory_space<vmem_shared>>, %arg15: memref<10112x64xf32, #tpu.memory_space<vmem_shared>>, %arg16: memref<!tpu.dma_semaphore, #tpu.memory_space<semaphore_mem>>, %arg17: memref<!tpu.dma_semaphore, #tpu.memory_space<semaphore_mem>>, %arg18: memref<!tpu.dma_semaphore, #tpu.memory_space<semaphore_mem>>) attributes {dimension_semantics = [#tpu.dimension_semantics<core_parallel>, #tpu.dimension_semantics<subcore_parallel>], iteration_bounds = array<i64: 2, 16>, scalar_prefetch = 0 : i64, scratch_operands = 12 : i64, tpu.core_type = #tpu.core_type<sc_vector_subcore>, window_params = [{transform_indices = #map}, {transform_indices = #map}, {transform_indices = #map}, {transform_indices = #map}, {transform_indices = #map1}]} {
    %mul3A = arith.constant 16 : i32
    %mul3A_0 = arith.muli %arg0, %mul3A : i32
    %add3A = arith.addi %mul3A_0, %arg1 : i32
    %mul3A_1 = arith.constant 632 : i32
    %mul3A_2 = arith.muli %arg1, %mul3A_1 : i32
    "tpu.region"() ({
      %run_scoped3A_22 = tpu.sem_alloc : memref<!tpu.dma_semaphore, #tpu.memory_space<semaphore_mem>>
      %dma_start3A = arith.constant 0 : i32
      %dma_start3A_23 = tpu.memref_slice %arg14[%mul3A_2, %dma_start3A] : memref<10112x64xf32, #tpu.memory_space<vmem_shared>> -> memref<632x64xf32, #tpu.memory_space<vmem_shared>>
      %dma_start3A_24 = arith.constant 0 : i32
      %dma_start3A_25 = tpu.memref_slice %arg2[%mul3A_2, %dma_start3A_24] : memref<10112x64xf32, #tpu.memory_space<hbm>> -> memref<632x64xf32, #tpu.memory_space<hbm>>
      tpu.enqueue_dma source(%dma_start3A_25 : memref<632x64xf32, #tpu.memory_space<hbm>>) target(%dma_start3A_23 : memref<632x64xf32, #tpu.memory_space<vmem_shared>>) target_semaphore(%run_scoped3A_22 : memref<!tpu.dma_semaphore, #tpu.memory_space<semaphore_mem>>)
      %dma_wait3A = arith.constant 0 : i32
      %dma_wait3A_26 = tpu.memref_slice %arg14[%mul3A_2, %dma_wait3A] : memref<10112x64xf32, #tpu.memory_space<vmem_shared>> -> memref<632x64xf32, #tpu.memory_space<vmem_shared>>
      %dma_wait3A_27 = arith.constant 0 : i32
      %dma_wait3A_28 = tpu.memref_slice %arg2[%mul3A_2, %dma_wait3A_27] : memref<10112x64xf32, #tpu.memory_space<hbm>> -> memref<632x64xf32, #tpu.memory_space<hbm>>
      tpu.wait_dma2 semaphore(%run_scoped3A_22 : memref<!tpu.dma_semaphore, #tpu.memory_space<semaphore_mem>>) src(%dma_wait3A_28 : memref<632x64xf32, #tpu.memory_space<hbm>>) dst(%dma_wait3A_26 : memref<632x64xf32, #tpu.memory_space<vmem_shared>>)
      tpu.yield
    }) : () -> ()
    "tpu.region"() ({
      %run_scoped3A_22 = tpu.sem_alloc : memref<!tpu.dma_semaphore, #tpu.memory_space<semaphore_mem>>
      %dma_start3A = arith.constant 0 : i32
      %dma_start3A_23 = tpu.memref_slice %arg15[%mul3A_2, %dma_start3A] : memref<10112x64xf32, #tpu.memory_space<vmem_shared>> -> memref<632x64xf32, #tpu.memory_space<vmem_shared>>
      %dma_start3A_24 = arith.constant 0 : i32
      %dma_start3A_25 = tpu.memref_slice %arg5[%mul3A_2, %dma_start3A_24] : memref<10112x64xf32, #tpu.memory_space<hbm>> -> memref<632x64xf32, #tpu.memory_space<hbm>>
      tpu.enqueue_dma source(%dma_start3A_25 : memref<632x64xf32, #tpu.memory_space<hbm>>) target(%dma_start3A_23 : memref<632x64xf32, #tpu.memory_space<vmem_shared>>) target_semaphore(%run_scoped3A_22 : memref<!tpu.dma_semaphore, #tpu.memory_space<semaphore_mem>>)
      %dma_wait3A = arith.constant 0 : i32
      %dma_wait3A_26 = tpu.memref_slice %arg15[%mul3A_2, %dma_wait3A] : memref<10112x64xf32, #tpu.memory_space<vmem_shared>> -> memref<632x64xf32, #tpu.memory_space<vmem_shared>>
      %dma_wait3A_27 = arith.constant 0 : i32
      %dma_wait3A_28 = tpu.memref_slice %arg5[%mul3A_2, %dma_wait3A_27] : memref<10112x64xf32, #tpu.memory_space<hbm>> -> memref<632x64xf32, #tpu.memory_space<hbm>>
      tpu.wait_dma2 semaphore(%run_scoped3A_22 : memref<!tpu.dma_semaphore, #tpu.memory_space<semaphore_mem>>) src(%dma_wait3A_28 : memref<632x64xf32, #tpu.memory_space<hbm>>) dst(%dma_wait3A_26 : memref<632x64xf32, #tpu.memory_space<vmem_shared>>)
      tpu.yield
    }) : () -> ()
    %mul3A_3 = arith.constant 78 : i32
    %mul3A_4 = arith.muli %add3A, %mul3A_3 : i32
    %mul3A_5 = arith.constant 128 : i32
    %mul3A_6 = arith.muli %mul3A_4, %mul3A_5 : i32
    %run_scoped3A = arith.constant 0 : i32
    "tpu.region"() ({
      %run_scoped3A_22 = tpu.sem_alloc : memref<!tpu.dma_semaphore, #tpu.memory_space<semaphore_mem>>
      %dma_start3A = tpu.memref_slice %arg3[%run_scoped3A, %mul3A_6] : memref<2x320000xi32, #tpu.memory_space<hbm>> -> memref<1x9984xi32, #tpu.memory_space<hbm>>
      %dma_start3A_23 = tpu.memref_squeeze %dma_start3A : memref<1x9984xi32, #tpu.memory_space<hbm>> -> memref<9984xi32, #tpu.memory_space<hbm>>
      %dma_start3A_24 = tpu.memref_slice %arg3[%run_scoped3A, %mul3A_6] : memref<2x320000xi32, #tpu.memory_space<hbm>> -> memref<1x9984xi32, #tpu.memory_space<hbm>>
      %dma_start3A_25 = tpu.memref_squeeze %dma_start3A_24 : memref<1x9984xi32, #tpu.memory_space<hbm>> -> memref<9984xi32, #tpu.memory_space<hbm>>
      tpu.enqueue_dma source(%dma_start3A_25 : memref<9984xi32, #tpu.memory_space<hbm>>) target(%arg7 : memref<9984xi32, #tpu.memory_space<vmem>>) target_semaphore(%run_scoped3A_22 : memref<!tpu.dma_semaphore, #tpu.memory_space<semaphore_mem>>)
      %dma_wait3A = tpu.memref_slice %arg3[%run_scoped3A, %mul3A_6] : memref<2x320000xi32, #tpu.memory_space<hbm>> -> memref<1x9984xi32, #tpu.memory_space<hbm>>
      %dma_wait3A_26 = tpu.memref_squeeze %dma_wait3A : memref<1x9984xi32, #tpu.memory_space<hbm>> -> memref<9984xi32, #tpu.memory_space<hbm>>
      %dma_wait3A_27 = tpu.memref_slice %arg3[%run_scoped3A, %mul3A_6] : memref<2x320000xi32, #tpu.memory_space<hbm>> -> memref<1x9984xi32, #tpu.memory_space<hbm>>
      %dma_wait3A_28 = tpu.memref_squeeze %dma_wait3A_27 : memref<1x9984xi32, #tpu.memory_space<hbm>> -> memref<9984xi32, #tpu.memory_space<hbm>>
      tpu.wait_dma2 semaphore(%run_scoped3A_22 : memref<!tpu.dma_semaphore, #tpu.memory_space<semaphore_mem>>) src(%dma_wait3A_28 : memref<9984xi32, #tpu.memory_space<hbm>>) dst(%arg7 : memref<9984xi32, #tpu.memory_space<vmem>>)
      tpu.yield
    }) : () -> ()
    %mul3A_7 = arith.constant 78 : i32
    %mul3A_8 = arith.muli %add3A, %mul3A_7 : i32
    "tpu.region"() ({
      %run_scoped3A_22 = tpu.sem_alloc : memref<!tpu.dma_semaphore, #tpu.memory_space<semaphore_mem>>
      %dma_start3A = arith.constant 0 : i32
      %dma_start3A_23 = tpu.memref_slice %arg4[%mul3A_8, %dma_start3A] : memref<2500x128xi32, #tpu.memory_space<hbm>> -> memref<78x128xi32, #tpu.memory_space<hbm>>
      %dma_start3A_24 = arith.constant 0 : i32
      %dma_start3A_25 = tpu.memref_slice %arg4[%mul3A_8, %dma_start3A_24] : memref<2500x128xi32, #tpu.memory_space<hbm>> -> memref<78x128xi32, #tpu.memory_space<hbm>>
      tpu.enqueue_dma source(%dma_start3A_25 : memref<78x128xi32, #tpu.memory_space<hbm>>) target(%arg8 : memref<78x128xi32, #tpu.memory_space<vmem>>) target_semaphore(%run_scoped3A_22 : memref<!tpu.dma_semaphore, #tpu.memory_space<semaphore_mem>>)
      %dma_wait3A = arith.constant 0 : i32
      %dma_wait3A_26 = tpu.memref_slice %arg4[%mul3A_8, %dma_wait3A] : memref<2500x128xi32, #tpu.memory_space<hbm>> -> memref<78x128xi32, #tpu.memory_space<hbm>>
      %dma_wait3A_27 = arith.constant 0 : i32
      %dma_wait3A_28 = tpu.memref_slice %arg4[%mul3A_8, %dma_wait3A_27] : memref<2500x128xi32, #tpu.memory_space<hbm>> -> memref<78x128xi32, #tpu.memory_space<hbm>>
      tpu.wait_dma2 semaphore(%run_scoped3A_22 : memref<!tpu.dma_semaphore, #tpu.memory_space<semaphore_mem>>) src(%dma_wait3A_28 : memref<78x128xi32, #tpu.memory_space<hbm>>) dst(%arg8 : memref<78x128xi32, #tpu.memory_space<vmem>>)
      tpu.yield
    }) : () -> ()
    %lt3A = arith.constant 4 : i32
    %lt3A_9 = arith.cmpi slt, %add3A, %lt3A : i32
    %convert_element_type3A = arith.extui %lt3A_9 : i1 to i32
    %cond3A = arith.constant 0 : i32
    %cond3A_10 = arith.cmpi ne, %convert_element_type3A, %cond3A : i32
    scf.if %cond3A_10 {
      %add3A_22 = arith.constant 2496 : i32
      %add3A_23 = arith.addi %add3A_22, %add3A : i32
      %mul3A_24 = arith.constant 128 : i32
      %mul3A_25 = arith.muli %add3A_23, %mul3A_24 : i32
      %run_scoped3A_26 = arith.constant 0 : i32
      "tpu.region"() ({
        %run_scoped3A_29 = tpu.sem_alloc : memref<!tpu.dma_semaphore, #tpu.memory_space<semaphore_mem>>
        %dma_start3A = tpu.memref_slice %arg3[%run_scoped3A_26, %mul3A_25] : memref<2x320000xi32, #tpu.memory_space<hbm>> -> memref<1x128xi32, #tpu.memory_space<hbm>>
        %dma_start3A_30 = tpu.memref_squeeze %dma_start3A : memref<1x128xi32, #tpu.memory_space<hbm>> -> memref<128xi32, #tpu.memory_space<hbm>>
        %dma_start3A_31 = tpu.memref_slice %arg3[%run_scoped3A_26, %mul3A_25] : memref<2x320000xi32, #tpu.memory_space<hbm>> -> memref<1x128xi32, #tpu.memory_space<hbm>>
        %dma_start3A_32 = tpu.memref_squeeze %dma_start3A_31 : memref<1x128xi32, #tpu.memory_space<hbm>> -> memref<128xi32, #tpu.memory_space<hbm>>
        tpu.enqueue_dma source(%dma_start3A_32 : memref<128xi32, #tpu.memory_space<hbm>>) target(%arg9 : memref<128xi32, #tpu.memory_space<vmem>>) target_semaphore(%run_scoped3A_29 : memref<!tpu.dma_semaphore, #tpu.memory_space<semaphore_mem>>)
        %dma_wait3A = tpu.memref_slice %arg3[%run_scoped3A_26, %mul3A_25] : memref<2x320000xi32, #tpu.memory_space<hbm>> -> memref<1x128xi32, #tpu.memory_space<hbm>>
        %dma_wait3A_33 = tpu.memref_squeeze %dma_wait3A : memref<1x128xi32, #tpu.memory_space<hbm>> -> memref<128xi32, #tpu.memory_space<hbm>>
        %dma_wait3A_34 = tpu.memref_slice %arg3[%run_scoped3A_26, %mul3A_25] : memref<2x320000xi32, #tpu.memory_space<hbm>> -> memref<1x128xi32, #tpu.memory_space<hbm>>
        %dma_wait3A_35 = tpu.memref_squeeze %dma_wait3A_34 : memref<1x128xi32, #tpu.memory_space<hbm>> -> memref<128xi32, #tpu.memory_space<hbm>>
        tpu.wait_dma2 semaphore(%run_scoped3A_29 : memref<!tpu.dma_semaphore, #tpu.memory_space<semaphore_mem>>) src(%dma_wait3A_35 : memref<128xi32, #tpu.memory_space<hbm>>) dst(%arg9 : memref<128xi32, #tpu.memory_space<vmem>>)
        tpu.yield
      }) : () -> ()
      %add3A_27 = arith.constant 2496 : i32
      %add3A_28 = arith.addi %add3A_27, %add3A : i32
      "tpu.region"() ({
        %run_scoped3A_29 = tpu.sem_alloc : memref<!tpu.dma_semaphore, #tpu.memory_space<semaphore_mem>>
        %dma_start3A = arith.constant 0 : i32
        %dma_start3A_30 = tpu.memref_slice %arg4[%add3A_28, %dma_start3A] : memref<2500x128xi32, #tpu.memory_space<hbm>> -> memref<1x128xi32, #tpu.memory_space<hbm>>
        %dma_start3A_31 = tpu.memref_squeeze %dma_start3A_30 : memref<1x128xi32, #tpu.memory_space<hbm>> -> memref<128xi32, #tpu.memory_space<hbm>>
        %dma_start3A_32 = arith.constant 0 : i32
        %dma_start3A_33 = tpu.memref_slice %arg4[%add3A_28, %dma_start3A_32] : memref<2500x128xi32, #tpu.memory_space<hbm>> -> memref<1x128xi32, #tpu.memory_space<hbm>>
        %dma_start3A_34 = tpu.memref_squeeze %dma_start3A_33 : memref<1x128xi32, #tpu.memory_space<hbm>> -> memref<128xi32, #tpu.memory_space<hbm>>
        tpu.enqueue_dma source(%dma_start3A_34 : memref<128xi32, #tpu.memory_space<hbm>>) target(%arg10 : memref<128xi32, #tpu.memory_space<vmem>>) target_semaphore(%run_scoped3A_29 : memref<!tpu.dma_semaphore, #tpu.memory_space<semaphore_mem>>)
        %dma_wait3A = arith.constant 0 : i32
        %dma_wait3A_35 = tpu.memref_slice %arg4[%add3A_28, %dma_wait3A] : memref<2500x128xi32, #tpu.memory_space<hbm>> -> memref<1x128xi32, #tpu.memory_space<hbm>>
        %dma_wait3A_36 = tpu.memref_squeeze %dma_wait3A_35 : memref<1x128xi32, #tpu.memory_space<hbm>> -> memref<128xi32, #tpu.memory_space<hbm>>
        %dma_wait3A_37 = arith.constant 0 : i32
        %dma_wait3A_38 = tpu.memref_slice %arg4[%add3A_28, %dma_wait3A_37] : memref<2500x128xi32, #tpu.memory_space<hbm>> -> memref<1x128xi32, #tpu.memory_space<hbm>>
        %dma_wait3A_39 = tpu.memref_squeeze %dma_wait3A_38 : memref<1x128xi32, #tpu.memory_space<hbm>> -> memref<128xi32, #tpu.memory_space<hbm>>
        tpu.wait_dma2 semaphore(%run_scoped3A_29 : memref<!tpu.dma_semaphore, #tpu.memory_space<semaphore_mem>>) src(%dma_wait3A_39 : memref<128xi32, #tpu.memory_space<hbm>>) dst(%arg10 : memref<128xi32, #tpu.memory_space<vmem>>)
        tpu.yield
      }) : () -> ()
    } else {
    }
    %barrier3A = arith.constant 0 : index
    tpu.barrier barrier_id(%barrier3A)
    %scan3A = arith.constant 0 : i32
    %scan3A_11 = arith.constant 0 : i32
    %scan3A_12 = arith.constant 26 : i32
    %scan3A_13 = arith.addi %scan3A_11, %scan3A_12 : i32
    %scan3A_14 = arith.constant 1 : i32
    scf.for %scan3A_22 = %scan3A_11 to %scan3A_13 step %scan3A_14  : i32 {
      %mul3A_23 = arith.constant 3 : i32
      %mul3A_24 = arith.muli %mul3A_23, %scan3A_22 : i32
      %add3A_25 = arith.constant 1 : i32
      %add3A_26 = arith.addi %mul3A_24, %add3A_25 : i32
      %mul3A_27 = arith.constant 128 : i32
      %mul3A_28 = arith.muli %add3A_26, %mul3A_27 : i32
      %add3A_29 = arith.constant 2 : i32
      %add3A_30 = arith.addi %mul3A_24, %add3A_29 : i32
      %mul3A_31 = arith.constant 128 : i32
      %mul3A_32 = arith.muli %add3A_30, %mul3A_31 : i32
      %dma_start3A = tpu.memref_slice %arg7[%mul3A_28] : memref<9984xi32, #tpu.memory_space<vmem>> -> memref<128xi32, #tpu.memory_space<vmem>>
      %dma_start3A_33 = arith.constant 0 : i32
      %dma_start3A_34 = arith.constant 0 : i32
      %dma_start3A_35 = tpu.memref_slice %arg2[%dma_start3A_33, %dma_start3A_34] : memref<10112x64xf32, #tpu.memory_space<hbm>> -> memref<10112x64xf32, #tpu.memory_space<hbm>>
      tpu.enqueue_indirect_dma source(%dma_start3A_35 : memref<10112x64xf32, #tpu.memory_space<hbm>>) target(%arg12 : memref<128x64xf32, #tpu.memory_space<vmem>>) offsets(%dma_start3A : memref<128xi32, #tpu.memory_space<vmem>>) semaphore(%arg17 : memref<!tpu.dma_semaphore, #tpu.memory_space<semaphore_mem>>)
      %dma_start3A_36 = tpu.memref_slice %arg7[%mul3A_32] : memref<9984xi32, #tpu.memory_space<vmem>> -> memref<128xi32, #tpu.memory_space<vmem>>
      %dma_start3A_37 = arith.constant 0 : i32
      %dma_start3A_38 = arith.constant 0 : i32
      %dma_start3A_39 = tpu.memref_slice %arg2[%dma_start3A_37, %dma_start3A_38] : memref<10112x64xf32, #tpu.memory_space<hbm>> -> memref<10112x64xf32, #tpu.memory_space<hbm>>
      tpu.enqueue_indirect_dma source(%dma_start3A_39 : memref<10112x64xf32, #tpu.memory_space<hbm>>) target(%arg13 : memref<128x64xf32, #tpu.memory_space<vmem>>) offsets(%dma_start3A_36 : memref<128xi32, #tpu.memory_space<vmem>>) semaphore(%arg18 : memref<!tpu.dma_semaphore, #tpu.memory_space<semaphore_mem>>)
      %mul3A_40 = arith.constant 128 : i32
      %mul3A_41 = arith.muli %mul3A_24, %mul3A_40 : i32
      %dma_start3A_42 = tpu.memref_slice %arg7[%mul3A_41] : memref<9984xi32, #tpu.memory_space<vmem>> -> memref<128xi32, #tpu.memory_space<vmem>>
      %dma_start3A_43 = arith.constant 0 : i32
      %dma_start3A_44 = arith.constant 0 : i32
      %dma_start3A_45 = tpu.memref_slice %arg14[%dma_start3A_43, %dma_start3A_44] : memref<10112x64xf32, #tpu.memory_space<vmem_shared>> -> memref<10112x64xf32, #tpu.memory_space<vmem_shared>>
      tpu.enqueue_indirect_dma source(%dma_start3A_45 : memref<10112x64xf32, #tpu.memory_space<vmem_shared>>) target(%arg11 : memref<128x64xf32, #tpu.memory_space<vmem>>) offsets(%dma_start3A_42 : memref<128xi32, #tpu.memory_space<vmem>>) semaphore(%arg16 : memref<!tpu.dma_semaphore, #tpu.memory_space<semaphore_mem>>)
      %dma_wait3A = tpu.memref_slice %arg7[%mul3A_41] : memref<9984xi32, #tpu.memory_space<vmem>> -> memref<128xi32, #tpu.memory_space<vmem>>
      %dma_wait3A_46 = arith.constant 0 : i32
      %dma_wait3A_47 = arith.constant 0 : i32
      %dma_wait3A_48 = tpu.memref_slice %arg14[%dma_wait3A_46, %dma_wait3A_47] : memref<10112x64xf32, #tpu.memory_space<vmem_shared>> -> memref<10112x64xf32, #tpu.memory_space<vmem_shared>>
      tpu.wait_indirect_dma semaphore(%arg16 : memref<!tpu.dma_semaphore, #tpu.memory_space<semaphore_mem>>) src(%dma_wait3A_48 : memref<10112x64xf32, #tpu.memory_space<vmem_shared>>) dst(%arg11 : memref<128x64xf32, #tpu.memory_space<vmem>>)
      "tpu.region"() ({
        %run_scoped3A_61 = tpu.sem_alloc : memref<!tpu.dma_semaphore, #tpu.memory_space<semaphore_mem>>
        %dma_start3A_62 = arith.constant 0 : i32
        %dma_start3A_63 = tpu.memref_slice %arg8[%mul3A_24, %dma_start3A_62] : memref<78x128xi32, #tpu.memory_space<vmem>> -> memref<1x128xi32, #tpu.memory_space<vmem>>
        %dma_start3A_64 = tpu.memref_squeeze %dma_start3A_63 : memref<1x128xi32, #tpu.memory_space<vmem>> -> memref<128xi32, #tpu.memory_space<vmem>>
        %dma_start3A_65 = arith.constant 0 : i32
        %dma_start3A_66 = arith.constant 0 : i32
        %dma_start3A_67 = tpu.memref_slice %arg15[%dma_start3A_65, %dma_start3A_66] : memref<10112x64xf32, #tpu.memory_space<vmem_shared>> -> memref<10112x64xf32, #tpu.memory_space<vmem_shared>>
        tpu.enqueue_indirect_dma source(%arg11 : memref<128x64xf32, #tpu.memory_space<vmem>>) target(%dma_start3A_67 : memref<10112x64xf32, #tpu.memory_space<vmem_shared>>) offsets(%dma_start3A_64 : memref<128xi32, #tpu.memory_space<vmem>>) semaphore(%run_scoped3A_61 : memref<!tpu.dma_semaphore, #tpu.memory_space<semaphore_mem>>) {add = true}
        %dma_wait3A_68 = arith.constant 0 : i32
        %dma_wait3A_69 = tpu.memref_slice %arg8[%mul3A_24, %dma_wait3A_68] : memref<78x128xi32, #tpu.memory_space<vmem>> -> memref<1x128xi32, #tpu.memory_space<vmem>>
        %dma_wait3A_70 = tpu.memref_squeeze %dma_wait3A_69 : memref<1x128xi32, #tpu.memory_space<vmem>> -> memref<128xi32, #tpu.memory_space<vmem>>
        %dma_wait3A_71 = arith.constant 0 : i32
        %dma_wait3A_72 = arith.constant 0 : i32
        %dma_wait3A_73 = tpu.memref_slice %arg15[%dma_wait3A_71, %dma_wait3A_72] : memref<10112x64xf32, #tpu.memory_space<vmem_shared>> -> memref<10112x64xf32, #tpu.memory_space<vmem_shared>>
        tpu.wait_indirect_dma semaphore(%run_scoped3A_61 : memref<!tpu.dma_semaphore, #tpu.memory_space<semaphore_mem>>) src(%arg11 : memref<128x64xf32, #tpu.memory_space<vmem>>) dst(%dma_wait3A_73 : memref<10112x64xf32, #tpu.memory_space<vmem_shared>>)
        tpu.yield
      }) : () -> ()
      %dma_wait3A_49 = tpu.memref_slice %arg7[%mul3A_28] : memref<9984xi32, #tpu.memory_space<vmem>> -> memref<128xi32, #tpu.memory_space<vmem>>
      %dma_wait3A_50 = arith.constant 0 : i32
      %dma_wait3A_51 = arith.constant 0 : i32
      %dma_wait3A_52 = tpu.memref_slice %arg2[%dma_wait3A_50, %dma_wait3A_51] : memref<10112x64xf32, #tpu.memory_space<hbm>> -> memref<10112x64xf32, #tpu.memory_space<hbm>>
      tpu.wait_indirect_dma semaphore(%arg17 : memref<!tpu.dma_semaphore, #tpu.memory_space<semaphore_mem>>) src(%dma_wait3A_52 : memref<10112x64xf32, #tpu.memory_space<hbm>>) dst(%arg12 : memref<128x64xf32, #tpu.memory_space<vmem>>)
      %add3A_53 = arith.constant 1 : i32
      %add3A_54 = arith.addi %mul3A_24, %add3A_53 : i32
      "tpu.region"() ({
        %run_scoped3A_61 = tpu.sem_alloc : memref<!tpu.dma_semaphore, #tpu.memory_space<semaphore_mem>>
        %dma_start3A_62 = arith.constant 0 : i32
        %dma_start3A_63 = tpu.memref_slice %arg8[%add3A_54, %dma_start3A_62] : memref<78x128xi32, #tpu.memory_space<vmem>> -> memref<1x128xi32, #tpu.memory_space<vmem>>
        %dma_start3A_64 = tpu.memref_squeeze %dma_start3A_63 : memref<1x128xi32, #tpu.memory_space<vmem>> -> memref<128xi32, #tpu.memory_space<vmem>>
        %dma_start3A_65 = arith.constant 0 : i32
        %dma_start3A_66 = arith.constant 0 : i32
        %dma_start3A_67 = tpu.memref_slice %arg15[%dma_start3A_65, %dma_start3A_66] : memref<10112x64xf32, #tpu.memory_space<vmem_shared>> -> memref<10112x64xf32, #tpu.memory_space<vmem_shared>>
        tpu.enqueue_indirect_dma source(%arg12 : memref<128x64xf32, #tpu.memory_space<vmem>>) target(%dma_start3A_67 : memref<10112x64xf32, #tpu.memory_space<vmem_shared>>) offsets(%dma_start3A_64 : memref<128xi32, #tpu.memory_space<vmem>>) semaphore(%run_scoped3A_61 : memref<!tpu.dma_semaphore, #tpu.memory_space<semaphore_mem>>) {add = true}
        %dma_wait3A_68 = arith.constant 0 : i32
        %dma_wait3A_69 = tpu.memref_slice %arg8[%add3A_54, %dma_wait3A_68] : memref<78x128xi32, #tpu.memory_space<vmem>> -> memref<1x128xi32, #tpu.memory_space<vmem>>
        %dma_wait3A_70 = tpu.memref_squeeze %dma_wait3A_69 : memref<1x128xi32, #tpu.memory_space<vmem>> -> memref<128xi32, #tpu.memory_space<vmem>>
        %dma_wait3A_71 = arith.constant 0 : i32
        %dma_wait3A_72 = arith.constant 0 : i32
        %dma_wait3A_73 = tpu.memref_slice %arg15[%dma_wait3A_71, %dma_wait3A_72] : memref<10112x64xf32, #tpu.memory_space<vmem_shared>> -> memref<10112x64xf32, #tpu.memory_space<vmem_shared>>
        tpu.wait_indirect_dma semaphore(%run_scoped3A_61 : memref<!tpu.dma_semaphore, #tpu.memory_space<semaphore_mem>>) src(%arg12 : memref<128x64xf32, #tpu.memory_space<vmem>>) dst(%dma_wait3A_73 : memref<10112x64xf32, #tpu.memory_space<vmem_shared>>)
        tpu.yield
      }) : () -> ()
      %dma_wait3A_55 = tpu.memref_slice %arg7[%mul3A_32] : memref<9984xi32, #tpu.memory_space<vmem>> -> memref<128xi32, #tpu.memory_space<vmem>>
      %dma_wait3A_56 = arith.constant 0 : i32
      %dma_wait3A_57 = arith.constant 0 : i32
      %dma_wait3A_58 = tpu.memref_slice %arg2[%dma_wait3A_56, %dma_wait3A_57] : memref<10112x64xf32, #tpu.memory_space<hbm>> -> memref<10112x64xf32, #tpu.memory_space<hbm>>
      tpu.wait_indirect_dma semaphore(%arg18 : memref<!tpu.dma_semaphore, #tpu.memory_space<semaphore_mem>>) src(%dma_wait3A_58 : memref<10112x64xf32, #tpu.memory_space<hbm>>) dst(%arg13 : memref<128x64xf32, #tpu.memory_space<vmem>>)
      %add3A_59 = arith.constant 2 : i32
      %add3A_60 = arith.addi %mul3A_24, %add3A_59 : i32
      "tpu.region"() ({
        %run_scoped3A_61 = tpu.sem_alloc : memref<!tpu.dma_semaphore, #tpu.memory_space<semaphore_mem>>
        %dma_start3A_62 = arith.constant 0 : i32
        %dma_start3A_63 = tpu.memref_slice %arg8[%add3A_60, %dma_start3A_62] : memref<78x128xi32, #tpu.memory_space<vmem>> -> memref<1x128xi32, #tpu.memory_space<vmem>>
        %dma_start3A_64 = tpu.memref_squeeze %dma_start3A_63 : memref<1x128xi32, #tpu.memory_space<vmem>> -> memref<128xi32, #tpu.memory_space<vmem>>
        %dma_start3A_65 = arith.constant 0 : i32
        %dma_start3A_66 = arith.constant 0 : i32
        %dma_start3A_67 = tpu.memref_slice %arg15[%dma_start3A_65, %dma_start3A_66] : memref<10112x64xf32, #tpu.memory_space<vmem_shared>> -> memref<10112x64xf32, #tpu.memory_space<vmem_shared>>
        tpu.enqueue_indirect_dma source(%arg13 : memref<128x64xf32, #tpu.memory_space<vmem>>) target(%dma_start3A_67 : memref<10112x64xf32, #tpu.memory_space<vmem_shared>>) offsets(%dma_start3A_64 : memref<128xi32, #tpu.memory_space<vmem>>) semaphore(%run_scoped3A_61 : memref<!tpu.dma_semaphore, #tpu.memory_space<semaphore_mem>>) {add = true}
        %dma_wait3A_68 = arith.constant 0 : i32
        %dma_wait3A_69 = tpu.memref_slice %arg8[%add3A_60, %dma_wait3A_68] : memref<78x128xi32, #tpu.memory_space<vmem>> -> memref<1x128xi32, #tpu.memory_space<vmem>>
        %dma_wait3A_70 = tpu.memref_squeeze %dma_wait3A_69 : memref<1x128xi32, #tpu.memory_space<vmem>> -> memref<128xi32, #tpu.memory_space<vmem>>
        %dma_wait3A_71 = arith.constant 0 : i32
        %dma_wait3A_72 = arith.constant 0 : i32
        %dma_wait3A_73 = tpu.memref_slice %arg15[%dma_wait3A_71, %dma_wait3A_72] : memref<10112x64xf32, #tpu.memory_space<vmem_shared>> -> memref<10112x64xf32, #tpu.memory_space<vmem_shared>>
        tpu.wait_indirect_dma semaphore(%run_scoped3A_61 : memref<!tpu.dma_semaphore, #tpu.memory_space<semaphore_mem>>) src(%arg13 : memref<128x64xf32, #tpu.memory_space<vmem>>) dst(%dma_wait3A_73 : memref<10112x64xf32, #tpu.memory_space<vmem_shared>>)
        tpu.yield
      }) : () -> ()
    }
    %scan3A_15 = arith.constant 26 : i32
    %lt3A_16 = arith.constant 4 : i32
    %lt3A_17 = arith.cmpi slt, %add3A, %lt3A_16 : i32
    %convert_element_type3A_18 = arith.extui %lt3A_17 : i1 to i32
    %cond3A_19 = arith.constant 0 : i32
    %cond3A_20 = arith.cmpi ne, %convert_element_type3A_18, %cond3A_19 : i32
    scf.if %cond3A_20 {
      %dma_start3A = arith.constant 0 : i32
      %dma_start3A_22 = arith.constant 0 : i32
      %dma_start3A_23 = tpu.memref_slice %arg14[%dma_start3A, %dma_start3A_22] : memref<10112x64xf32, #tpu.memory_space<vmem_shared>> -> memref<10112x64xf32, #tpu.memory_space<vmem_shared>>
      tpu.enqueue_indirect_dma source(%dma_start3A_23 : memref<10112x64xf32, #tpu.memory_space<vmem_shared>>) target(%arg11 : memref<128x64xf32, #tpu.memory_space<vmem>>) offsets(%arg9 : memref<128xi32, #tpu.memory_space<vmem>>) semaphore(%arg16 : memref<!tpu.dma_semaphore, #tpu.memory_space<semaphore_mem>>)
      %dma_wait3A = arith.constant 0 : i32
      %dma_wait3A_24 = arith.constant 0 : i32
      %dma_wait3A_25 = tpu.memref_slice %arg14[%dma_wait3A, %dma_wait3A_24] : memref<10112x64xf32, #tpu.memory_space<vmem_shared>> -> memref<10112x64xf32, #tpu.memory_space<vmem_shared>>
      tpu.wait_indirect_dma semaphore(%arg16 : memref<!tpu.dma_semaphore, #tpu.memory_space<semaphore_mem>>) src(%dma_wait3A_25 : memref<10112x64xf32, #tpu.memory_space<vmem_shared>>) dst(%arg11 : memref<128x64xf32, #tpu.memory_space<vmem>>)
      "tpu.region"() ({
        %run_scoped3A_26 = tpu.sem_alloc : memref<!tpu.dma_semaphore, #tpu.memory_space<semaphore_mem>>
        %dma_start3A_27 = arith.constant 0 : i32
        %dma_start3A_28 = arith.constant 0 : i32
        %dma_start3A_29 = tpu.memref_slice %arg15[%dma_start3A_27, %dma_start3A_28] : memref<10112x64xf32, #tpu.memory_space<vmem_shared>> -> memref<10112x64xf32, #tpu.memory_space<vmem_shared>>
        tpu.enqueue_indirect_dma source(%arg11 : memref<128x64xf32, #tpu.memory_space<vmem>>) target(%dma_start3A_29 : memref<10112x64xf32, #tpu.memory_space<vmem_shared>>) offsets(%arg10 : memref<128xi32, #tpu.memory_space<vmem>>) semaphore(%run_scoped3A_26 : memref<!tpu.dma_semaphore, #tpu.memory_space<semaphore_mem>>) {add = true}
        %dma_wait3A_30 = arith.constant 0 : i32
        %dma_wait3A_31 = arith.constant 0 : i32
        %dma_wait3A_32 = tpu.memref_slice %arg15[%dma_wait3A_30, %dma_wait3A_31] : memref<10112x64xf32, #tpu.memory_space<vmem_shared>> -> memref<10112x64xf32, #tpu.memory_space<vmem_shared>>
        tpu.wait_indirect_dma semaphore(%run_scoped3A_26 : memref<!tpu.dma_semaphore, #tpu.memory_space<semaphore_mem>>) src(%arg11 : memref<128x64xf32, #tpu.memory_space<vmem>>) dst(%dma_wait3A_32 : memref<10112x64xf32, #tpu.memory_space<vmem_shared>>)
        tpu.yield
      }) : () -> ()
    } else {
    }
    %barrier3A_21 = arith.constant 0 : index
    tpu.barrier barrier_id(%barrier3A_21)
    "tpu.region"() ({
      %run_scoped3A_22 = tpu.sem_alloc : memref<!tpu.dma_semaphore, #tpu.memory_space<semaphore_mem>>
      %dma_start3A = arith.constant 0 : i32
      %dma_start3A_23 = tpu.memref_slice %arg6[%arg0, %mul3A_2, %dma_start3A] : memref<2x10112x64xf32, #tpu.memory_space<hbm>> -> memref<1x632x64xf32, #tpu.memory_space<hbm>>
      %dma_start3A_24 = tpu.memref_squeeze %dma_start3A_23 : memref<1x632x64xf32, #tpu.memory_space<hbm>> -> memref<632x64xf32, #tpu.memory_space<hbm>>
      %dma_start3A_25 = arith.constant 0 : i32
      %dma_start3A_26 = tpu.memref_slice %arg15[%mul3A_2, %dma_start3A_25] : memref<10112x64xf32, #tpu.memory_space<vmem_shared>> -> memref<632x64xf32, #tpu.memory_space<vmem_shared>>
      tpu.enqueue_dma source(%dma_start3A_26 : memref<632x64xf32, #tpu.memory_space<vmem_shared>>) target(%dma_start3A_24 : memref<632x64xf32, #tpu.memory_space<hbm>>) target_semaphore(%run_scoped3A_22 : memref<!tpu.dma_semaphore, #tpu.memory_space<semaphore_mem>>)
      %dma_wait3A = arith.constant 0 : i32
      %dma_wait3A_27 = tpu.memref_slice %arg6[%arg0, %mul3A_2, %dma_wait3A] : memref<2x10112x64xf32, #tpu.memory_space<hbm>> -> memref<1x632x64xf32, #tpu.memory_space<hbm>>
      %dma_wait3A_28 = tpu.memref_squeeze %dma_wait3A_27 : memref<1x632x64xf32, #tpu.memory_space<hbm>> -> memref<632x64xf32, #tpu.memory_space<hbm>>
      %dma_wait3A_29 = arith.constant 0 : i32
      %dma_wait3A_30 = tpu.memref_slice %arg15[%mul3A_2, %dma_wait3A_29] : memref<10112x64xf32, #tpu.memory_space<vmem_shared>> -> memref<632x64xf32, #tpu.memory_space<vmem_shared>>
      tpu.wait_dma2 semaphore(%run_scoped3A_22 : memref<!tpu.dma_semaphore, #tpu.memory_space<semaphore_mem>>) src(%dma_wait3A_30 : memref<632x64xf32, #tpu.memory_space<vmem_shared>>) dst(%dma_wait3A_28 : memref<632x64xf32, #tpu.memory_space<hbm>>)
      tpu.yield
    }) : () -> ()
    return
  }
}

module attributes {stable_mosaic.version = 14 : i64} {
  func.func @body(%arg0: i32, %arg1: memref<1264x128xf32, #tpu.memory_space<vmem>>, %arg2: memref<1x1264x8xf32, #tpu.memory_space<vmem>>, %arg3: memref<1x1264x8xf32, #tpu.memory_space<vmem>>, %arg4: memref<128x64xf32, #tpu.memory_space<vmem>>, %arg5: memref<1264x64xf32, #tpu.memory_space<vmem>>, %arg6: memref<1264x1xf32, #tpu.memory_space<vmem>>) attributes {dimension_semantics = [#tpu.dimension_semantics<arbitrary>], iteration_bounds = array<i64: 8>, scalar_prefetch = 0 : i64, scratch_operands = 0 : i64, tpu.core_type = #tpu.core_type<tc>, window_params = [{transform_indices = @transform_0, window_bounds = array<i64: 1264, 128>}, {transform_indices = @transform_1, window_bounds = array<i64: 1, 1264, 8>}, {transform_indices = @transform_2, window_bounds = array<i64: 1, 1264, 8>}, {pipeline_mode = #tpu.pipeline_mode<synchronous>, transform_indices = @transform_3, window_bounds = array<i64: 128, 64>}, {transform_indices = @transform_4, window_bounds = array<i64: 1264, 64>}, {transform_indices = @transform_5, window_bounds = array<i64: 1264, 1>}]} {
    %get3A = arith.constant 0 : index
    %get3A_0 = arith.constant 0 : index
    %get3A_1 = arith.constant 0 : index
    %get3A_2 = vector.load %arg2[%get3A, %get3A_0, %get3A_1] : memref<1x1264x8xf32, #tpu.memory_space<vmem>>, vector<1x1264x1xf32>
    %get3A_3 = vector.shape_cast %get3A_2 : vector<1x1264x1xf32> to vector<1264x1xf32>
    %get3A_4 = arith.constant 0 : index
    %get3A_5 = arith.constant 0 : index
    %get3A_6 = arith.constant 0 : index
    %get3A_7 = vector.load %arg3[%get3A_4, %get3A_5, %get3A_6] : memref<1x1264x8xf32, #tpu.memory_space<vmem>>, vector<1x1264x1xf32>
    %get3A_8 = vector.shape_cast %get3A_7 : vector<1x1264x1xf32> to vector<1264x1xf32>
    %add3A = arith.addf %get3A_3, %get3A_8 : vector<1264x1xf32>
    %add3A_9 = arith.constant 1.000000e+00 : f32
    %add3A_10 = vector.broadcast %add3A_9 : f32 to vector<1264x1xf32>
    %add3A_11 = arith.addf %add3A, %add3A_10 : vector<1264x1xf32>
    %rsqrt3A = math.rsqrt %add3A_11 : vector<1264x1xf32>
    %get3A_12 = arith.constant 0 : index
    %get3A_13 = arith.constant 0 : index
    %get3A_14 = vector.load %arg1[%get3A_12, %get3A_13] : memref<1264x128xf32, #tpu.memory_space<vmem>>, vector<1264x128xf32>
    %get3A_15 = arith.constant 0 : index
    %get3A_16 = arith.constant 0 : index
    %get3A_17 = vector.load %arg4[%get3A_15, %get3A_16] : memref<128x64xf32, #tpu.memory_space<vmem>>, vector<128x64xf32>
    %dot_general3A = arith.constant dense<0.000000e+00> : vector<1264x64xf32>
    %dot_general3A_18 = tpu.matmul %get3A_14, %get3A_17, %dot_general3A {dimension_numbers = #tpu.dot_dimension_numbers<[1], [0], [0], [1], [0, 0, 1, 1], [], []>, transpose_lhs_hint = false} : vector<1264x128xf32>, vector<128x64xf32>, vector<1264x64xf32> -> vector<1264x64xf32>
    %mul3A = vector.broadcast %rsqrt3A : vector<1264x1xf32> to vector<1264x64xf32>
    %mul3A_19 = arith.mulf %dot_general3A_18, %mul3A : vector<1264x64xf32>
    %swap3A = arith.constant 0 : index
    %swap3A_20 = arith.constant 0 : index
    %swap3A_21 = vector.load %arg5[%swap3A, %swap3A_20] : memref<1264x64xf32, #tpu.memory_space<vmem>>, vector<1264x64xf32>
    tpu.vector_store %arg5[%swap3A, %swap3A_20], %mul3A_19 {strides = array<i32>} : memref<1264x64xf32, #tpu.memory_space<vmem>>, vector<1264x64xf32>,
    %swap3A_22 = arith.constant 0 : index
    %swap3A_23 = arith.constant 0 : index
    %swap3A_24 = vector.load %arg6[%swap3A_22, %swap3A_23] : memref<1264x1xf32, #tpu.memory_space<vmem>>, vector<1264x1xf32>
    tpu.vector_store %arg6[%swap3A_22, %swap3A_23], %rsqrt3A {strides = array<i32>} : memref<1264x1xf32, #tpu.memory_space<vmem>>, vector<1264x1xf32>,
    return
  }
  func.func @transform_0(%arg0: i32) -> (i32, i32) {
    %c0_i32 = arith.constant 0 : i32
    %c0_i32_0 = arith.constant 0 : i32
    return %arg0, %c0_i32 : i32, i32
  }
  func.func @transform_1(%arg0: i32) -> (i32, i32, i32) {
    %c0_i32 = arith.constant 0 : i32
    %c0_i32_0 = arith.constant 0 : i32
    %c0_i32_1 = arith.constant 0 : i32
    return %c0_i32, %arg0, %c0_i32_0 : i32, i32, i32
  }
  func.func @transform_2(%arg0: i32) -> (i32, i32, i32) {
    %c1_i32 = arith.constant 1 : i32
    %c0_i32 = arith.constant 0 : i32
    %c0_i32_0 = arith.constant 0 : i32
    return %c1_i32, %arg0, %c0_i32 : i32, i32, i32
  }
  func.func @transform_3(%arg0: i32) -> (i32, i32) {
    %c0_i32 = arith.constant 0 : i32
    %c0_i32_0 = arith.constant 0 : i32
    %c0_i32_1 = arith.constant 0 : i32
    return %c0_i32, %c0_i32_0 : i32, i32
  }
  func.func @transform_4(%arg0: i32) -> (i32, i32) {
    %c0_i32 = arith.constant 0 : i32
    %c0_i32_0 = arith.constant 0 : i32
    return %arg0, %c0_i32 : i32, i32
  }
  func.func @transform_5(%arg0: i32) -> (i32, i32) {
    %c0_i32 = arith.constant 0 : i32
    %c0_i32_0 = arith.constant 0 : i32
    return %arg0, %c0_i32 : i32, i32
  }
}

module attributes {stable_mosaic.version = 14 : i64} {
  func.func @body(%arg0: i32, %arg1: memref<1x1264x64xf32, #tpu.memory_space<vmem>>, %arg2: memref<1x1264x64xf32, #tpu.memory_space<vmem>>, %arg3: memref<1264x64xf32, #tpu.memory_space<vmem>>, %arg4: memref<1264x1xf32, #tpu.memory_space<vmem>>, %arg5: memref<1x64xf32, #tpu.memory_space<vmem>>, %arg6: memref<64x16xf32, #tpu.memory_space<vmem>>, %arg7: memref<1264x16xf32, #tpu.memory_space<vmem>>) attributes {dimension_semantics = [#tpu.dimension_semantics<arbitrary>], iteration_bounds = array<i64: 8>, scalar_prefetch = 0 : i64, scratch_operands = 0 : i64, tpu.core_type = #tpu.core_type<tc>, window_params = [{transform_indices = @transform_0, window_bounds = array<i64: 1, 1264, 64>}, {transform_indices = @transform_1, window_bounds = array<i64: 1, 1264, 64>}, {transform_indices = @transform_2, window_bounds = array<i64: 1264, 64>}, {transform_indices = @transform_3, window_bounds = array<i64: 1264, 1>}, {pipeline_mode = #tpu.pipeline_mode<synchronous>, transform_indices = @transform_4, window_bounds = array<i64: 1, 64>}, {pipeline_mode = #tpu.pipeline_mode<synchronous>, transform_indices = @transform_5, window_bounds = array<i64: 64, 16>}, {transform_indices = @transform_6, window_bounds = array<i64: 1264, 16>}]} {
    %get3A = arith.constant 0 : index
    %get3A_0 = arith.constant 0 : index
    %get3A_1 = vector.load %arg4[%get3A, %get3A_0] : memref<1264x1xf32, #tpu.memory_space<vmem>>, vector<1264x1xf32>
    %get3A_2 = arith.constant 0 : index
    %get3A_3 = arith.constant 0 : index
    %get3A_4 = arith.constant 0 : index
    %get3A_5 = vector.load %arg1[%get3A_2, %get3A_3, %get3A_4] : memref<1x1264x64xf32, #tpu.memory_space<vmem>>, vector<1x1264x64xf32>
    %get3A_6 = vector.shape_cast %get3A_5 : vector<1x1264x64xf32> to vector<1264x64xf32>
    %get3A_7 = arith.constant 0 : index
    %get3A_8 = arith.constant 0 : index
    %get3A_9 = arith.constant 0 : index
    %get3A_10 = vector.load %arg2[%get3A_7, %get3A_8, %get3A_9] : memref<1x1264x64xf32, #tpu.memory_space<vmem>>, vector<1x1264x64xf32>
    %get3A_11 = vector.shape_cast %get3A_10 : vector<1x1264x64xf32> to vector<1264x64xf32>
    %add3A = arith.addf %get3A_6, %get3A_11 : vector<1264x64xf32>
    %get3A_12 = arith.constant 0 : index
    %get3A_13 = arith.constant 0 : index
    %get3A_14 = vector.load %arg3[%get3A_12, %get3A_13] : memref<1264x64xf32, #tpu.memory_space<vmem>>, vector<1264x64xf32>
    %add3A_15 = arith.addf %add3A, %get3A_14 : vector<1264x64xf32>
    %mul3A = vector.broadcast %get3A_1 : vector<1264x1xf32> to vector<1264x64xf32>
    %mul3A_16 = arith.mulf %mul3A, %add3A_15 : vector<1264x64xf32>
    %get3A_17 = arith.constant 0 : index
    %get3A_18 = arith.constant 0 : index
    %get3A_19 = vector.load %arg5[%get3A_17, %get3A_18] : memref<1x64xf32, #tpu.memory_space<vmem>>, vector<1x64xf32>
    %add3A_20 = vector.broadcast %get3A_19 : vector<1x64xf32> to vector<1264x64xf32>
    %add3A_21 = arith.addf %mul3A_16, %add3A_20 : vector<1264x64xf32>
    %max3A = arith.constant 0.000000e+00 : f32
    %max3A_22 = vector.broadcast %max3A : f32 to vector<1264x64xf32>
    %max3A_23 = arith.maximumf %add3A_21, %max3A_22 : vector<1264x64xf32>
    %get3A_24 = arith.constant 0 : index
    %get3A_25 = arith.constant 0 : index
    %get3A_26 = vector.load %arg6[%get3A_24, %get3A_25] : memref<64x16xf32, #tpu.memory_space<vmem>>, vector<64x16xf32>
    %dot_general3A = arith.constant dense<0.000000e+00> : vector<1264x16xf32>
    %dot_general3A_27 = tpu.matmul %max3A_23, %get3A_26, %dot_general3A {dimension_numbers = #tpu.dot_dimension_numbers<[1], [0], [0], [1], [0, 0, 1, 1], [], []>, transpose_lhs_hint = false} : vector<1264x64xf32>, vector<64x16xf32>, vector<1264x16xf32> -> vector<1264x16xf32>
    %mul3A_28 = vector.broadcast %get3A_1 : vector<1264x1xf32> to vector<1264x16xf32>
    %mul3A_29 = arith.mulf %dot_general3A_27, %mul3A_28 : vector<1264x16xf32>
    %swap3A = arith.constant 0 : index
    %swap3A_30 = arith.constant 0 : index
    %swap3A_31 = vector.load %arg7[%swap3A, %swap3A_30] : memref<1264x16xf32, #tpu.memory_space<vmem>>, vector<1264x16xf32>
    tpu.vector_store %arg7[%swap3A, %swap3A_30], %mul3A_29 {strides = array<i32>} : memref<1264x16xf32, #tpu.memory_space<vmem>>, vector<1264x16xf32>,
    return
  }
  func.func @transform_0(%arg0: i32) -> (i32, i32, i32) {
    %c0_i32 = arith.constant 0 : i32
    %c0_i32_0 = arith.constant 0 : i32
    %c0_i32_1 = arith.constant 0 : i32
    return %c0_i32, %arg0, %c0_i32_0 : i32, i32, i32
  }
  func.func @transform_1(%arg0: i32) -> (i32, i32, i32) {
    %c1_i32 = arith.constant 1 : i32
    %c0_i32 = arith.constant 0 : i32
    %c0_i32_0 = arith.constant 0 : i32
    return %c1_i32, %arg0, %c0_i32 : i32, i32, i32
  }
  func.func @transform_2(%arg0: i32) -> (i32, i32) {
    %c0_i32 = arith.constant 0 : i32
    %c0_i32_0 = arith.constant 0 : i32
    return %arg0, %c0_i32 : i32, i32
  }
  func.func @transform_3(%arg0: i32) -> (i32, i32) {
    %c0_i32 = arith.constant 0 : i32
    %c0_i32_0 = arith.constant 0 : i32
    return %arg0, %c0_i32 : i32, i32
  }
  func.func @transform_4(%arg0: i32) -> (i32, i32) {
    %c0_i32 = arith.constant 0 : i32
    %c0_i32_0 = arith.constant 0 : i32
    %c0_i32_1 = arith.constant 0 : i32
    return %c0_i32, %c0_i32_0 : i32, i32
  }
  func.func @transform_5(%arg0: i32) -> (i32, i32) {
    %c0_i32 = arith.constant 0 : i32
    %c0_i32_0 = arith.constant 0 : i32
    %c0_i32_1 = arith.constant 0 : i32
    return %c0_i32, %c0_i32_0 : i32, i32
  }
  func.func @transform_6(%arg0: i32) -> (i32, i32) {
    %c0_i32 = arith.constant 0 : i32
    %c0_i32_0 = arith.constant 0 : i32
    return %arg0, %c0_i32 : i32, i32
  }
}

module attributes {stable_mosaic.version = 14 : i64} {
  func.func @body(%arg0: i32, %arg1: memref<1x1264x16xf32, #tpu.memory_space<vmem>>, %arg2: memref<1x1264x16xf32, #tpu.memory_space<vmem>>, %arg3: memref<1264x16xf32, #tpu.memory_space<vmem>>, %arg4: memref<1264x1xf32, #tpu.memory_space<vmem>>, %arg5: memref<1x16xf32, #tpu.memory_space<vmem>>, %arg6: memref<1264x16xf32, #tpu.memory_space<vmem>>) attributes {dimension_semantics = [#tpu.dimension_semantics<arbitrary>], iteration_bounds = array<i64: 8>, scalar_prefetch = 0 : i64, scratch_operands = 0 : i64, tpu.core_type = #tpu.core_type<tc>, window_params = [{transform_indices = @transform_0, window_bounds = array<i64: 1, 1264, 16>}, {transform_indices = @transform_1, window_bounds = array<i64: 1, 1264, 16>}, {transform_indices = @transform_2, window_bounds = array<i64: 1264, 16>}, {transform_indices = @transform_3, window_bounds = array<i64: 1264, 1>}, {pipeline_mode = #tpu.pipeline_mode<synchronous>, transform_indices = @transform_4, window_bounds = array<i64: 1, 16>}, {transform_indices = @transform_5, window_bounds = array<i64: 1264, 16>}]} {
    %get3A = arith.constant 0 : index
    %get3A_0 = arith.constant 0 : index
    %get3A_1 = vector.load %arg4[%get3A, %get3A_0] : memref<1264x1xf32, #tpu.memory_space<vmem>>, vector<1264x1xf32>
    %get3A_2 = arith.constant 0 : index
    %get3A_3 = arith.constant 0 : index
    %get3A_4 = arith.constant 0 : index
    %get3A_5 = vector.load %arg1[%get3A_2, %get3A_3, %get3A_4] : memref<1x1264x16xf32, #tpu.memory_space<vmem>>, vector<1x1264x16xf32>
    %get3A_6 = vector.shape_cast %get3A_5 : vector<1x1264x16xf32> to vector<1264x16xf32>
    %get3A_7 = arith.constant 0 : index
    %get3A_8 = arith.constant 0 : index
    %get3A_9 = arith.constant 0 : index
    %get3A_10 = vector.load %arg2[%get3A_7, %get3A_8, %get3A_9] : memref<1x1264x16xf32, #tpu.memory_space<vmem>>, vector<1x1264x16xf32>
    %get3A_11 = vector.shape_cast %get3A_10 : vector<1x1264x16xf32> to vector<1264x16xf32>
    %add3A = arith.addf %get3A_6, %get3A_11 : vector<1264x16xf32>
    %get3A_12 = arith.constant 0 : index
    %get3A_13 = arith.constant 0 : index
    %get3A_14 = vector.load %arg3[%get3A_12, %get3A_13] : memref<1264x16xf32, #tpu.memory_space<vmem>>, vector<1264x16xf32>
    %add3A_15 = arith.addf %add3A, %get3A_14 : vector<1264x16xf32>
    %mul3A = vector.broadcast %get3A_1 : vector<1264x1xf32> to vector<1264x16xf32>
    %mul3A_16 = arith.mulf %mul3A, %add3A_15 : vector<1264x16xf32>
    %get3A_17 = arith.constant 0 : index
    %get3A_18 = arith.constant 0 : index
    %get3A_19 = vector.load %arg5[%get3A_17, %get3A_18] : memref<1x16xf32, #tpu.memory_space<vmem>>, vector<1x16xf32>
    %add3A_20 = vector.broadcast %get3A_19 : vector<1x16xf32> to vector<1264x16xf32>
    %add3A_21 = arith.addf %mul3A_16, %add3A_20 : vector<1264x16xf32>
    %swap3A = arith.constant 0 : index
    %swap3A_22 = arith.constant 0 : index
    %swap3A_23 = vector.load %arg6[%swap3A, %swap3A_22] : memref<1264x16xf32, #tpu.memory_space<vmem>>, vector<1264x16xf32>
    tpu.vector_store %arg6[%swap3A, %swap3A_22], %add3A_21 {strides = array<i32>} : memref<1264x16xf32, #tpu.memory_space<vmem>>, vector<1264x16xf32>,
    return
  }
  func.func @transform_0(%arg0: i32) -> (i32, i32, i32) {
    %c0_i32 = arith.constant 0 : i32
    %c0_i32_0 = arith.constant 0 : i32
    %c0_i32_1 = arith.constant 0 : i32
    return %c0_i32, %arg0, %c0_i32_0 : i32, i32, i32
  }
  func.func @transform_1(%arg0: i32) -> (i32, i32, i32) {
    %c1_i32 = arith.constant 1 : i32
    %c0_i32 = arith.constant 0 : i32
    %c0_i32_0 = arith.constant 0 : i32
    return %c1_i32, %arg0, %c0_i32 : i32, i32, i32
  }
  func.func @transform_2(%arg0: i32) -> (i32, i32) {
    %c0_i32 = arith.constant 0 : i32
    %c0_i32_0 = arith.constant 0 : i32
    return %arg0, %c0_i32 : i32, i32
  }
  func.func @transform_3(%arg0: i32) -> (i32, i32) {
    %c0_i32 = arith.constant 0 : i32
    %c0_i32_0 = arith.constant 0 : i32
    return %arg0, %c0_i32 : i32, i32
  }
  func.func @transform_4(%arg0: i32) -> (i32, i32) {
    %c0_i32 = arith.constant 0 : i32
    %c0_i32_0 = arith.constant 0 : i32
    %c0_i32_1 = arith.constant 0 : i32
    return %c0_i32, %c0_i32_0 : i32, i32
  }
  func.func @transform_5(%arg0: i32) -> (i32, i32) {
    %c0_i32 = arith.constant 0 : i32
    %c0_i32_0 = arith.constant 0 : i32
    return %arg0, %c0_i32 : i32, i32
  }
}

</mosaic_0001>

<sc_bundles>
// kernel: kernel.11.cloned.1.call-start
scs
__scs_entry_jumppad:
0x0: {  	(pc) =	sbr.rel $0x88, $3  }
0x1: {  	(tag) =	ssettag $0x0;
	lr =	simm.s32 $0x1  }
0x2: {  	[smem:$0x3F9B] =	sst lr;
	_ =	strace $0xD0000000  }
0x3: {  	_ = 	snop  }
0x4: {  	_ = 	snop  }
0x5: {  	_ = 	snop  }
0x6: {  	_ = 	snop  }
0x7: {  	_ = 	snop  }
__scs_overlays_trampoline_lowered:
0x8: {  	[smem:$0x3FAA] =	sst s0  }
0x9: {  	[smem:$0x3FAB] =	sst s1  }
0xa: {  	[smem:$0x3FAC] =	sst s2  }
0xb: {  	[smem:$0x3FAD] =	sst s3  }
0xc: {  	[smem:$0x3FAE] =	sst s4  }
0xd: {  	[smem:$0x3FAF] =	sst s5  }
0xe: {  	[smem:$0x3FB0] =	sst s6  }
0xf: {  	[smem:$0x3FB1] =	sst s7  }
0x10: {  	[smem:$0x3FB2] =	sst s8  }
0x11: {  	[smem:$0x3FB3] =	sst s9;
	s0 =	simm.s32 @!p0 $0x0  }
0x12: {  	s1 =	sld [smem:$0x3F99];
	s0 =	simm.s32 @p0 $0x1  }
0x13: {  	[smem:$0x3FB4] =	sst s0;
	s0 =	simm.s32 @!p1 $0x0  }
0x14: {  	s2 =	sld [smem:$0x3F98];
	s0 =	simm.s32 @p1 $0x1  }
0x15: {  	[smem:$0x3FB5] =	sst s0;
	s0 =	simm.s32 @!p2 $0x0  }
0x16: {  	s3 =	sld [smem:$0x3FDB];
	s0 =	simm.s32 @p2 $0x1  }
0x17: {  	s4 =	simm.s32 $0x1BF5;
	[smem:$0x3FB7] =	sst s0  }
0x18: {  	s0 =	sld [smem:$0x3F9A];
	_ =	swait.ge [sflag:s4], $0x0  }
0x19: {  	s7 =	sld [smem:$0x3F9B]  }
0x1a: {  	s8 =	sadd.s32 $0xFFFFE003, lr  }
0x1b: {  	s9 =	sadd.s32 $0xFFFFFEF7, lr;
	s5 =	simm.s32 $0xFFFFFFFF;
	p2 =	slt.u32 s8, $0xFFFFF086  }
0x1c: {  	p1 =	slt.u32 s9, $0xF7A;
	s5 =	simm.s32 @!p2 $0x0  }
0x1d: {  	s5 =	simm.s32 @p1 $0x1;
	p0 =	seq.s32 s7, s2  }
0x1e: {  	s7 =	smul.u32 @!p0 $0xF7A, s2;
	p2 =	seq.s32 @!p0 s5, $0x0  }
0x1f: {  	s9 =	smul.u32 $0xF7A, s1;
	s8 =	simm.s32 @!p0 $0x1BF5;
	p2 =	por !p2, p0  }
0x20: {  	[sflag:s8] =	ssyncset.s32 @!p0 $0xFFFFF086;
	s6 =	sadd.s32 @!p0 s3, s7;
	s7 =	simm.s32 @!p0 $0x108  }
0x21: {  	s3 =	sadd.s32 s3, s9;
	s6 =	sadd.s32 @!p0 $0x88, s6;
	s7 =	simm.s32 @p2 $0x1082  }
0x22: {  	[simem:s7], [sflag:s8] =	dma.local @!p0 [hbm:s6], $0xF7A  }
0x23: {  	s9 =	sor.u32 $0xD0000000, s2;
	s6 =	simm.s32 $0x108;
	_ =	swait.ge @!p0 [sflag:s8], $0x0  }
0x24: {  	s3 =	sadd.s32 $0x88, s3;
	s6 =	simm.s32 @!p1 $0x1082;
	[sflag:s4] =	ssyncset.s32 $0xFFFFF086  }
0x25: {  	[simem:s6], [sflag:s4] =	dma.local [hbm:s3], $0xF7A  }
0x26: {  	[smem:$0x3F9B] =	sst s1;
	(tag) =	ssettag s2;
	_ =	strace s9  }
0x27: {  	s1 =	sld [smem:$0x3FAB]  }
0x28: {  	s2 =	sld [smem:$0x3FAC]  }
0x29: {  	s4 =	sld [smem:$0x3FAE]  }
0x2a: {  	p0 =	seq.s32 s5, $0x0;
	s5 =	sld [smem:$0x3FAF]  }
0x2b: {  	s6 =	sld [smem:$0x3FB0]  }
0x2c: {  	s7 =	sld [smem:$0x3FB1]  }
0x2d: {  	s3 =	simm.s32 $0x108;
	s8 =	sld [smem:$0x3FB2]  }
0x2e: {  	s3 =	simm.s32 @!p0 $0x1082;
	s9 =	sld [smem:$0x3FB3]  }
0x2f: {  	lr =	sadd.s32 s0, s3;
	s0 =	sld [smem:$0x3FAA]  }
0x30: {  	s3 =	sld [smem:$0x3FAD]  }
0x31: {  	[smem:$0x3FB6] =	sst s10  }
0x32: {  	s10 =	sld [smem:$0x3FB4];
	_ =	sdelay $0x3  }
0x33: {  	p0 =	seq.s32 s10, $0x1;
	s10 =	sld [smem:$0x3FB6];
	_ =	sdelay $0x3  }
0x34: {  	[smem:$0x3FB6] =	sst s10  }
0x35: {  	s10 =	sld [smem:$0x3FB5];
	_ =	sdelay $0x3  }
0x36: {  	p1 =	seq.s32 s10, $0x1;
	s10 =	sld [smem:$0x3FB6];
	_ =	sdelay $0x3  }
0x37: {  	[smem:$0x3FB6] =	sst s10  }
0x38: {  	s10 =	sld [smem:$0x3FB7]  }
0x39: {  	_ = 	snop;
	(pc) =	sbr.ind lr, $3  }
0x3a: {  	_ = 	snop  }
0x3b: {  	_ = 	snop  }
0x3c: {  	p2 =	seq.s32 s10, $0x1;
	s10 =	sld [smem:$0x3FB6]  }
0x3d: {  	_ =	shalt  }
0x3e: {  	_ =	shalt  }
0x3f: {  	_ =	shalt  }
0x40: {  	_ =	shalt  }
0x41: {  	_ =	shalt  }
0x42: {  	_ =	shalt  }
0x43: {  	_ =	shalt  }
0x44: {  	_ =	shalt  }
0x45: {  	_ =	shalt  }
0x46: {  	_ =	shalt  }
0x47: {  	_ =	shalt  }
0x48: {  	_ =	shalt  }
0x49: {  	_ =	shalt  }
0x4a: {  	_ =	shalt  }
0x4b: {  	_ =	shalt  }
0x4c: {  	_ =	shalt  }
0x4d: {  	_ =	shalt  }
0x4e: {  	_ =	shalt  }
0x4f: {  	_ =	shalt  }
0x50: {  	_ =	shalt  }
0x51: {  	_ =	shalt  }
0x52: {  	_ =	shalt  }
0x53: {  	_ =	shalt  }
0x54: {  	_ =	shalt  }
0x55: {  	_ =	shalt  }
0x56: {  	_ =	shalt  }
0x57: {  	_ =	shalt  }
0x58: {  	_ =	shalt  }
0x59: {  	_ =	shalt  }
0x5a: {  	_ =	shalt  }
0x5b: {  	_ =	shalt  }
0x5c: {  	_ =	shalt  }
0x5d: {  	_ =	shalt  }
0x5e: {  	_ =	shalt  }
0x5f: {  	_ =	shalt  }
0x60: {  	_ =	shalt  }
0x61: {  	_ =	shalt  }
0x62: {  	_ =	shalt  }
0x63: {  	_ =	shalt  }
0x64: {  	_ =	shalt  }
0x65: {  	_ =	shalt  }
0x66: {  	_ =	shalt  }
0x67: {  	_ =	shalt  }
0x68: {  	_ =	shalt  }
0x69: {  	_ =	shalt  }
0x6a: {  	_ =	shalt  }
0x6b: {  	_ =	shalt  }
0x6c: {  	_ =	shalt  }
0x6d: {  	_ =	shalt  }
0x6e: {  	_ =	shalt  }
0x6f: {  	_ =	shalt  }
0x70: {  	_ =	shalt  }
0x71: {  	_ =	shalt  }
0x72: {  	_ =	shalt  }
0x73: {  	_ =	shalt  }
0x74: {  	_ =	shalt  }
0x75: {  	_ =	shalt  }
0x76: {  	_ =	shalt  }
0x77: {  	_ =	shalt  }
0x78: {  	_ =	shalt  }
0x79: {  	_ =	shalt  }
0x7a: {  	_ =	shalt  }
0x7b: {  	_ =	shalt  }
0x7c: {  	_ =	shalt  }
0x7d: {  	_ =	shalt  }
0x7e: {  	_ =	shalt  }
0x7f: {  	_ =	shalt  }
0x80: {  	_ =	shalt  }
0x81: {  	_ =	shalt  }
0x82: {  	_ =	shalt  }
0x83: {  	_ =	shalt  }
0x84: {  	_ =	shalt  }
0x85: {  	_ =	shalt  }
0x86: {  	_ =	shalt  }
0x87: {  	_ =	shalt  }
.Lfunc_end0:
.L_simem_size_0:
called_computation.1_lowered:
.L_overlay_start_0:
0x88: {  	s2 =	sld [smem:$0x3FD9]  }
0x89: {  	s3 =	sld [smem:$0x3FFE];
	_ =	sdelay $0x1  }
0x8a: {  	s1 =	srdreg.scid  }
0x8b: {  	s0 =	sand.u32 $0x1, s1  }
0x8c: {  	s16 =	sshll.u32 s0, $0xA;
	s2 =	sadd.s32 s3, s2  }
0x8d: {  	s2 =	sadd.s32 s2, s16  }
0x8e: {  	[smem:$0x3FC2] =	sst s2  }
0x8f: {  	_ = 	snop  }
0x90: {  	(tm) =	ssettm $0x1  }
0x91: {  	s17 =	sld [smem:$0x3FFB];
	_ =	sdelay $0x3  }
0x92: {  	_ =	strace s17  }
0x93: {  	s2 =	sld [smem:$0x3FFC];
	_ =	sdelay $0x3  }
0x94: {  	_ =	strace s2  }
0x95: {  	s2 =	sld [smem:$0x3FFD];
	_ =	sdelay $0x3  }
0x96: {  	_ =	strace s2  }
0x97: {  	_ =	strace $0x8FFFFFFF  }
0x98: {  	s18 =	sld [smem:$0x3FDB];
	_ =	sdelay $0x1  }
0x99: {  	s19 =	simm.s32 $_scs_section_size  }
0x9a: {  	s4 =	simm.s32 $_size__tile_overlayer_lowered;
	s5 =	simm.s32 $_tile_overlayer_lowered  }
0x9b: {  	s22 =	simm.s32 $0x1BFF;
	s21 =	sshll.u32 s5, $0x1;
	s2 =	sadd.s32 s19, s18  }
0x9c: {  	s6 =	simm.s32 $0x0;
	s20 =	sshll.u32 s4, $0x1;
	s4 =	sadd.s32 s21, s2  }
0x9d: {  	[timem:s6], [sflag:s22] =	dma.local [hbm:s4], s20  }
0x9e: {  	_ =	swait.ge [sflag:s22], s20  }
0x9f: {  	s3 =	ssub.s32 $0x0, s20;
	[sflag:s22] =	ssyncset.done $0x0  }
0xa0: {  	[sflag:s22] =	ssyncadd.s32 s3;
	_ =	sdelay $0x1  }
0xa1: {  	s23 =	simm.s32 $0x1B8B  }
0xa2: {  	_ =	swait.ge [sflag:s23], $0x1  }
0xa3: {  	[sflag:s23] =	ssyncset.done $0x0  }
0xa4: {  	s25 =	simm.s32 $0x1B8E;
	s24 =	sld [smem:$0x3FFE];
	[sflag:s23] =	ssyncadd.s32 $0xFFFFFFFF  }
0xa5: {  	s26 =	simm.s32 $execute0_lowered;
	[smem:$0x3FD2] =	sst s25  }
0xa6: {  	s4 =	sshll.u32 s26, $0x1;
	_ =	strace $0x80000049;
	[dreg:$0x1] =	wrdreg $0xFFFFFFFF  }
0xa7: {  	s28 =	simm.s32 $_size_execute0_lowered;
	s2 =	sadd.s32 s2, s4;
	[dreg:$0x0] =	wrdreg $0x0  }
0xa8: {  	s4 =	sshll.u32 s28, $0x1;
	[dreg:$0x2] =	wrdreg s2  }
0xa9: {  	[dreg:$0x3] =	wrdreg s4  }
0xaa: {  	[dreg:$0x4] =	wrdreg $0xC0  }
0xab: {  	_ =	task [dreg:s6], $0x5FFFF  }
0xac: {  	[dreg:$0x1] =	wrdreg $0xFFFFFFFF  }
0xad: {  	[dreg:$0x0] =	wrdreg $0x60  }
0xae: {  	[dreg:$0x2] =	wrdreg s24  }
0xaf: {  	[dreg:$0x3] =	wrdreg $0xAF000  }
0xb0: {  	[dreg:$0x4] =	wrdreg $0x14D000  }
0xb1: {  	[dreg:$0x5] =	wrdreg $0x9  }
0xb2: {  	_ =	task.clear_ibuf [dreg:s6], $0x6FFFF;
	_ =	strace $0x90000049  }
0xb3: {  	s29 =	simm.s32 $0x9;
	_ =	strace $0x8000004B  }
0xb4: {  	_ =	swait.ge [sflag:s29], $0x1  }
0xb5: {  	[sflag:s29] =	ssyncadd.s32 $0xFFFFFFFF  }
0xb6: {  	_ =	strace $0x9000004B  }
0xb7: {  	_ =	sfence  }
0xb8: {  	s30 =	sld [smem:$0x0];
	_ =	sdelay $0x2  }
0xb9: {  	s31 =	sshll.u32 s1, $0xD;
	s1 =	sshrl.u32 s1, $0x2  }
0xba: {  	s3 =	sand.u32 $0x4000, s31;
	s1 =	sadd.s32 s1, s30  }
0xbb: {  	s0 =	sor.u32 s3, s0;
	s1 =	sshll.u32 s1, $0x11  }
0xbc: {  	s0 =	sor.u32 s1, s0  }
0xbd: {  	s0 =	sadd.s32 $0x8F2B, s0  }
0xbe: {  	[sflag:s0] =	ssyncadd.remote.s32 $0x1  }
0xbf: {  	_ =	sfence.sel $0xFFFF  }
0xc0: {  	[dreg:$0x0] =	wrdreg $0xFFFFFFFF;
	(pc) =	sbr.abs _section_cstart, $3  }
0xc1: {  	[dreg:$0x1] =	wrdreg $0xFFFFFFFF  }
0xc2: {  	_ =	task.clear_ibuf [dreg:s6], $0x2FFFF;
	_ =	strace $0x9FFFFFFF  }
0xc3: {  	(tm) =	ssettm $0x7FFFFFFF  }
tec
execute0_lowered:
.L_overlay_start_1:
0x0: {  	(tag) =	ssettag $0x1  }
0x1: {  	s6 =	rddreg [dreg:$0x0]  }
0x2: {  	s2 =	rddreg [dreg:$0x1]  }
0x3: {  	s3 =	rddreg [dreg:$0x2];
	s1 =	stileid.u32  }
0x4: {  	s5 =	srdreg.scid;
	s4 =	simm.s32 $0x0;
	s20 =	simm.s32 $0x6F00  }
0x5: {  	s21 =	simm.s32 $0x8F00;
	s22 =	simm.s32 $0x4F00;
	s23 =	simm.s32 $0x1  }
0x6: {  	s24 =	simm.s32 $0x2;
	s25 =	simm.s32 $0x3;
	s26 =	simm.s32 $0x0  }
0x7: {  	s8 =	smul.u32 $0x9E00, s1;
	s7 =	sand.u32 $0x1, s5;
	[smem:$0x7FF] =	sst s4  }
0x8: {  	s5 =	sadd.s32 $0x21E00, s6;
	s11 =	sadd.s32 $0xE400, s6;
	s12 =	sadd.s32 $0x1C00, s6  }
0x9: {  	s29 =	sshll.u32 s1, $0x6;
	s19 =	sshll.u32 s1, $0x4;
	s9 =	smul.u32 $0x9E000, s7  }
0xa: {  	_ =	strace $0x8000004A;
	s14 =	ssub.s32 $0x2, s7;
	s7 =	sshll.u32 s7, $0x4  }
0xb: {  	s31 =	sor.u32 $0x9C00, s19;
	s19 =	simm.s32 $0x80;
	s10 =	sshrl.u32 s8, $0x3  }
0xc: {  	s28 =	sshrl.u32 s14, $0x1;
	s16 =	sor.u32 s1, s7;
	s17 =	sadd.s32 s8, s2  }
0xd: {  	s7 =	sor.u32 $0x1C04, s29;
	s18 =	sadd.s32 s8, s3;
	s9 =	sadd.s32 s8, s9  }
0xe: {  	s13 =	sadd.s32 s10, s6;
	s14 =	ssub.s32 s14, s28;
	s30 =	smul.u32 $0x4E0, s16  }
0xf: {  	p0 =	sgt.u32 s16, $0x3;
	s16 =	simm.s32 $0x4;
	s9 =	sshrl.u32 s9, $0x3  }
0x10: {  	s8 =	sadd.s32 $0x35A00, s13;
	s14 =	smax.u32 s14, $0x1;
	s15 =	sadd.s32 s9, s6  }
0x11: {  	s6 =	sadd.s32 s5, s10;
	s9 =	sadd.s32 s11, s30;
	s10 =	sadd.s32 s12, s30  }
0x12: {  	s11 =	sadd.s32 s11, s31;
	s12 =	sadd.s32 s12, s31;
	s13 =	sadd.s32 $0x49600, s15  }
0x13: {  	s15 =	sshrl.u32 s17, $0x3;
	s17 =	sshrl.u32 s18, $0x3;
	s18 =	simm.s32 $0x2700  }
.LBB2_1:
0x14: {  	[spmem:s15], [sflag:s7] =	dma.local [hbm:s6], $0x13C0  }
0x15: {  	_ =	swait.ge [sflag:s16], $0x13C0  }
0x16: {  	[sflag:s16] =	ssyncset.done $0x0  }
0x17: {  	[sflag:s16] =	ssyncadd.s32 $0xFFFFEC40  }
0x18: {  	[spmem:s17], [sflag:s7] =	dma.local [hbm:s8], $0x13C0  }
0x19: {  	_ =	swait.ge [sflag:s16], $0x13C0  }
0x1a: {  	[sflag:s16] =	ssyncset.done $0x0  }
0x1b: {  	[sflag:s16] =	ssyncadd.s32 $0xFFFFEC40  }
0x1c: {  	[tilespmem:s4], [sflag:$0x4] =	stream.linear.gather [hbm4b:s9+s4], $0x2700, $0x38;
	[tilespmem:$0x1EB00] =	vst v63  }
0x1d: {  	_ =	swait.ge [sflag:s16], $0x2700  }
0x1e: {  	[sflag:s16] =	ssyncset.done $0x0  }
0x1f: {  	[sflag:s16] =	ssyncadd.s32 $0xFFFFD900  }
0x20: {  	[tilespmem:s18], [sflag:$0x4] =	stream.linear.gather [hbm4b:s10+s4], $0x2700, $0x38;
	[tilespmem:$0x1EB00] =	vst v63  }
0x21: {  	_ =	swait.ge [sflag:s16], $0x2700  }
0x22: {  	[sflag:s16] =	ssyncset.done $0x0  }
0x23: {  	s28 =	simm.s32 @!p0 $0x0;
	s29 =	simm.s32 @!p0 $0x4E00;
	[sflag:s16] =	ssyncadd.s32 $0xFFFFD900  }
0x24: {  	[tilespmem:s29], [sflag:$0x4] =	stream.linear.gather @!p0 [hbm4b:s11+s28], $0x80, $0x38;
	[tilespmem:$0x1EB00] =	vst v63  }
0x25: {  	s29 =	simm.s32 @!p0 $0x4  }
0x26: {  	_ =	swait.ge @!p0 [sflag:s29], $0x80  }
0x27: {  	[sflag:s29] =	ssyncset.done @!p0 $0x0  }
0x28: {  	s30 =	simm.s32 @!p0 $0x4E80;
	[sflag:s29] =	ssyncadd.s32 @!p0 $0xFFFFFF80  }
0x29: {  	[tilespmem:s30], [sflag:$0x4] =	stream.linear.gather @!p0 [hbm4b:s12+s28], $0x80, $0x38;
	[tilespmem:$0x1EB00] =	vst v63  }
0x2a: {  	_ =	swait.ge @!p0 [sflag:s29], $0x80  }
0x2b: {  	[sflag:s29] =	ssyncset.done @!p0 $0x0  }
0x2c: {  	[sflag:s29] =	ssyncadd.s32 @!p0 $0xFFFFFF80  }
0x2d: {  	s28 =	simm.s32 $0x80;
	[bflag:$0x0] =	sbarrier.arrive $0xFFFF  }
0x2e: {  	[tilespmem:s20], [sflag:$0x2] =	stream.indirect.gather [hbm4b:s5+s19], $0x40, s28, s19, $0xb8;
	[tilespmem:$0x1EB00] =	vst v63  }
0x2f: {  	s28 =	simm.s32 $0x100  }
0x30: {  	[tilespmem:s21], [sflag:$0x3] =	stream.indirect.gather [hbm4b:s5+s19], $0x40, s28, s19, $0xb8;
	[tilespmem:$0x1EB00] =	vst v63  }
0x31: {  	s28 =	simm.s32 $0x0  }
0x32: {  	[tilespmem:s22], [sflag:$0x1] =	stream.indirect.gather [spmem:s2], $0x40, s28, s19, $0xb8;
	[tilespmem:$0x1EB00] =	vst v63  }
0x33: {  	_ =	swait.ge [sflag:s23], $0x2000  }
0x34: {  	[sflag:s23] =	ssyncset.done $0x0  }
0x35: {  	s28 =	simm.s32 $0x2700;
	[sflag:s23] =	ssyncadd.s32 $0xFFFFE000  }
0x36: {  	[spmem:s3] =	stream.indirect.scatter.add.f32 [tilespmem:s22], [sflag:$0x4], $0x40, s28, s19, $0xb8;
	[tilespmem:$0x1EB00] =	vst v63  }
0x37: {  	_ =	swait.ge [sflag:s16], $0x2000  }
0x38: {  	[sflag:s16] =	ssyncset.done $0x0  }
0x39: {  	[sflag:s16] =	ssyncadd.s32 $0xFFFFE000  }
0x3a: {  	_ =	swait.ge [sflag:s24], $0x2000  }
0x3b: {  	[sflag:s24] =	ssyncset.done $0x0  }
0x3c: {  	s28 =	simm.s32 $0x2780;
	[sflag:s24] =	ssyncadd.s32 $0xFFFFE000  }
0x3d: {  	[spmem:s3] =	stream.indirect.scatter.add.f32 [tilespmem:s20], [sflag:$0x4], $0x40, s28, s19, $0xb8;
	[tilespmem:$0x1EB00] =	vst v63  }
0x3e: {  	_ =	swait.ge [sflag:s16], $0x2000  }
0x3f: {  	[sflag:s16] =	ssyncset.done $0x0  }
0x40: {  	[sflag:s16] =	ssyncadd.s32 $0xFFFFE000  }
0x41: {  	_ =	swait.ge [sflag:s25], $0x2000  }
0x42: {  	[sflag:s25] =	ssyncset.done $0x0  }
0x43: {  	s28 =	simm.s32 $0x2800;
	[sflag:s25] =	ssyncadd.s32 $0xFFFFE000  }
0x44: {  	[spmem:s3] =	stream.indirect.scatter.add.f32 [tilespmem:s21], [sflag:$0x4], $0x40, s28, s19, $0xb8;
	[tilespmem:$0x1EB00] =	vst v63  }
0x45: {  	_ =	swait.ge [sflag:s16], $0x2000  }
0x46: {  	s29 =	simm.s32 $0xC00;
	s28 =	simm.s32 $0x180;
	[sflag:s16] =	ssyncset.done $0x0  }
.LBB2_2:
0x47: {  	s30 =	sadd.s32 $0x80, s28  }
0x48: {  	[sflag:s16] =	ssyncadd.s32 $0xFFFFE000;
	s31 =	smov.u32 s29;
	s0 =	sadd.s32 $0x600, s29  }
0x49: {  	[tilespmem:s20], [sflag:$0x2] =	stream.indirect.gather [hbm4b:s5+s19], $0x40, s30, s19, $0xb8;
	[tilespmem:$0x1EB00] =	vst v63  }
0x4a: {  	p1 =	sne.s32 s29, $0x9600;
	s29 =	sadd.s32 $0x100, s28  }
0x4b: {  	[tilespmem:s21], [sflag:$0x3] =	stream.indirect.gather [hbm4b:s5+s19], $0x40, s29, s19, $0xb8;
	[tilespmem:$0x1EB00] =	vst v63  }
0x4c: {  	_ = 	snop  }
0x4d: {  	[tilespmem:s22], [sflag:$0x1] =	stream.indirect.gather [spmem:s2], $0x40, s28, s19, $0xb8;
	[tilespmem:$0x1EB00] =	vst v63  }
0x4e: {  	_ =	swait.ge [sflag:s23], $0x2000  }
0x4f: {  	[sflag:s23] =	ssyncset.done $0x0  }
0x50: {  	s29 =	sadd.s32 $0x2700, s28;
	[sflag:s23] =	ssyncadd.s32 $0xFFFFE000  }
0x51: {  	[spmem:s3] =	stream.indirect.scatter.add.f32 [tilespmem:s22], [sflag:$0x4], $0x40, s29, s19, $0xb8;
	[tilespmem:$0x1EB00] =	vst v63  }
0x52: {  	_ =	swait.ge [sflag:s16], $0x2000  }
0x53: {  	[sflag:s16] =	ssyncset.done $0x0  }
0x54: {  	[sflag:s16] =	ssyncadd.s32 $0xFFFFE000  }
0x55: {  	_ =	swait.ge [sflag:s24], $0x2000  }
0x56: {  	[sflag:s24] =	ssyncset.done $0x0  }
0x57: {  	s29 =	sadd.s32 $0x2780, s28;
	[sflag:s24] =	ssyncadd.s32 $0xFFFFE000  }
0x58: {  	[spmem:s3] =	stream.indirect.scatter.add.f32 [tilespmem:s20], [sflag:$0x4], $0x40, s29, s19, $0xb8;
	[tilespmem:$0x1EB00] =	vst v63  }
0x59: {  	_ =	swait.ge [sflag:s16], $0x2000  }
0x5a: {  	[sflag:s16] =	ssyncset.done $0x0  }
0x5b: {  	[sflag:s16] =	ssyncadd.s32 $0xFFFFE000  }
0x5c: {  	_ =	swait.ge [sflag:s25], $0x2000  }
.Ltmp0:
0x5d: {  	[sflag:s25] =	ssyncset.done $0x0;
	(pc) =	sbr.rel @p1 .LBB2_2-.Ltmp0, $4  }
0x5e: {  	s28 =	sadd.s32 $0x2800, s28;
	[sflag:s25] =	ssyncadd.s32 $0xFFFFE000  }
0x5f: {  	[spmem:s3] =	stream.indirect.scatter.add.f32 [tilespmem:s21], [sflag:$0x4], $0x40, s28, s19, $0xb8;
	[tilespmem:$0x1EB00] =	vst v63  }
0x60: {  	_ =	swait.ge [sflag:s16], $0x2000  }
0x61: {  	s29 =	smov.u32 s0;
	s28 =	sshra.s32 s31, $0x2;
	[sflag:s16] =	ssyncset.done $0x0  }
0x62: {  	s0 =	sadd.s32 $0x80, s28;
	[sflag:s16] =	ssyncadd.s32 $0xFFFFE000  }
0x63: {  	[tilespmem:s20], [sflag:$0x2] =	stream.indirect.gather [hbm4b:s5+s19], $0x40, s0, s19, $0xb8;
	[tilespmem:$0x1EB00] =	vst v63  }
0x64: {  	s31 =	sadd.s32 $0x100, s28  }
0x65: {  	[tilespmem:s21], [sflag:$0x3] =	stream.indirect.gather [hbm4b:s5+s19], $0x40, s31, s19, $0xb8;
	[tilespmem:$0x1EB00] =	vst v63  }
0x66: {  	_ = 	snop  }
0x67: {  	[tilespmem:s22], [sflag:$0x1] =	stream.indirect.gather [spmem:s2], $0x40, s28, s19, $0xb8;
	[tilespmem:$0x1EB00] =	vst v63  }
0x68: {  	_ =	swait.ge [sflag:s23], $0x2000  }
0x69: {  	[sflag:s23] =	ssyncset.done $0x0  }
0x6a: {  	s29 =	sadd.s32 $0x2700, s28;
	[sflag:s23] =	ssyncadd.s32 $0xFFFFE000  }
0x6b: {  	[spmem:s3] =	stream.indirect.scatter.add.f32 [tilespmem:s22], [sflag:$0x4], $0x40, s29, s19, $0xb8;
	[tilespmem:$0x1EB00] =	vst v63  }
0x6c: {  	_ =	swait.ge [sflag:s16], $0x2000  }
0x6d: {  	[sflag:s16] =	ssyncset.done $0x0  }
0x6e: {  	[sflag:s16] =	ssyncadd.s32 $0xFFFFE000  }
0x6f: {  	_ =	swait.ge [sflag:s24], $0x2000  }
0x70: {  	[sflag:s24] =	ssyncset.done $0x0  }
0x71: {  	s30 =	sadd.s32 $0x2780, s28;
	[sflag:s24] =	ssyncadd.s32 $0xFFFFE000  }
0x72: {  	[spmem:s3] =	stream.indirect.scatter.add.f32 [tilespmem:s20], [sflag:$0x4], $0x40, s30, s19, $0xb8;
	[tilespmem:$0x1EB00] =	vst v63  }
0x73: {  	_ =	swait.ge [sflag:s16], $0x2000  }
0x74: {  	[sflag:s16] =	ssyncset.done $0x0  }
0x75: {  	[sflag:s16] =	ssyncadd.s32 $0xFFFFE000  }
0x76: {  	_ =	swait.ge [sflag:s25], $0x2000  }
0x77: {  	[sflag:s25] =	ssyncset.done $0x0  }
0x78: {  	s31 =	sadd.s32 $0x2800, s28;
	[sflag:s25] =	ssyncadd.s32 $0xFFFFE000  }
0x79: {  	[spmem:s3] =	stream.indirect.scatter.add.f32 [tilespmem:s21], [sflag:$0x4], $0x40, s31, s19, $0xb8;
	[tilespmem:$0x1EB00] =	vst v63  }
0x7a: {  	_ =	swait.ge [sflag:s16], $0x2000  }
0x7b: {  	s0 =	simm.s32 @!p0 $0x80;
	[sflag:s16] =	ssyncset.done $0x0  }
0x7c: {  	s28 =	simm.s32 @!p0 $0x4E00;
	s29 =	simm.s32 @!p0 $0x4F00;
	[sflag:s16] =	ssyncadd.s32 $0xFFFFE000  }
0x7d: {  	[tilespmem:s29], [sflag:$0x1] =	stream.indirect.gather @!p0 [spmem:s2], $0x40, s28, s0, $0xb8;
	[tilespmem:$0x1EB00] =	vst v63  }
0x7e: {  	s28 =	simm.s32 @!p0 $0x1  }
0x7f: {  	_ =	swait.ge @!p0 [sflag:s28], $0x2000  }
0x80: {  	[sflag:s28] =	ssyncset.done @!p0 $0x0  }
0x81: {  	[sflag:s28] =	ssyncadd.s32 @!p0 $0xFFFFE000;
	s28 =	simm.s32 @!p0 $0x4E80  }
0x82: {  	[spmem:s3] =	stream.indirect.scatter.add.f32 @!p0 [tilespmem:s29], [sflag:$0x4], $0x40, s28, s0, $0xb8;
	[tilespmem:$0x1EB00] =	vst v63  }
0x83: {  	s0 =	simm.s32 @!p0 $0x4  }
0x84: {  	_ =	swait.ge @!p0 [sflag:s0], $0x2000  }
0x85: {  	s26 =	sadd.s32 $0x1, s26;
	[sflag:s0] =	ssyncset.done @!p0 $0x0  }
0x86: {  	p1 =	sne.s32 s26, s14;
	[sflag:s0] =	ssyncadd.s32 @!p0 $0xFFFFE000  }
.Ltmp1:
0x87: {  	[bflag:$0x0] =	sbarrier.arrive $0xFFFF;
	(pc) =	sbr.rel @p1 .LBB2_1-.Ltmp1, $4  }
0x88: {  	[hbm:s13], [sflag:s7] =	dma.local [spmem:s17], $0x13C0  }
0x89: {  	_ =	swait.ge [sflag:s16], $0x13C0  }
0x8a: {  	[sflag:s16] =	ssyncset.done $0x0  }
0x8b: {  	[sflag:s16] =	ssyncadd.s32 $0xFFFFEC40  }
0x8c: {  	_ =	sfence.sel $0x180000  }
0x8d: {  	[bflag:$0x0] =	sbarrier.arrive $0xFFFF  }
0x8e: {  	_ =	strace $0x9000004A  }
0x8f: {  	[bflag:$0x2] =	sbarrier.arrive $0xFFFF  }
0x90: {  	p0 =	sne.s32 s1, $0x0;
	s0 =	rddreg [dreg:$0x3]  }
0x91: {  	s0 =	sadd.s32 @!p0 $0x100000, s0  }
0x92: {  	[sflag:s0] =	ssyncadd.tile.s32 @!p0 $0x1;
	_ =	shalt  }
.Lfunc_end2:
_tile_overlayer_lowered:
.L_overlay_start_2:
0x93: {  	(tag) =	ssettag $0x2  }
0x94: {  	s0 =	rddreg [dreg:$0x0];
	s2 =	stileid.u32  }
0x95: {  	s1 =	rddreg [dreg:$0x1];
	p0 =	sne.s32 s2, $0x0  }
0x96: {  	s3 =	rddreg [dreg:$0x2];
	[bflag:$0x3] =	sbarrier.arrive $0xFFFF;
	s2 =	simm.s32 @!p0 $0x1C04  }
0x97: {  	[timem:s3], [sflag:s2] =	dma.local @!p0 [hbm:s0], s1  }
0x98: {  	s0 =	simm.s32 @!p0 $0x4  }
0x99: {  	_ =	swait.ge @!p0 [sflag:s0], s1  }
0x9a: {  	s1 =	ssub.s32 @!p0 $0x0, s1;
	[sflag:s0] =	ssyncset.done @!p0 $0x0  }
0x9b: {  	[sflag:s0] =	ssyncadd.s32 @!p0 s1  }
0x9c: {  	[bflag:$0x3] =	sbarrier.arrive $0xFFFF  }
0x9d: {  	_ =	shalt  }

// kernel: kernel.14.cloned.1.call-start
scs
__scs_entry_jumppad:
0x0: {  	(pc) =	sbr.rel $0x88, $3  }
0x1: {  	(tag) =	ssettag $0x0;
	lr =	simm.s32 $0x1  }
0x2: {  	[smem:$0x3F9B] =	sst lr;
	_ =	strace $0xD0000000  }
0x3: {  	_ = 	snop  }
0x4: {  	_ = 	snop  }
0x5: {  	_ = 	snop  }
0x6: {  	_ = 	snop  }
0x7: {  	_ = 	snop  }
__scs_overlays_trampoline_lowered:
0x8: {  	[smem:$0x3FAA] =	sst s0  }
0x9: {  	[smem:$0x3FAB] =	sst s1  }
0xa: {  	[smem:$0x3FAC] =	sst s2  }
0xb: {  	[smem:$0x3FAD] =	sst s3  }
0xc: {  	[smem:$0x3FAE] =	sst s4  }
0xd: {  	[smem:$0x3FAF] =	sst s5  }
0xe: {  	[smem:$0x3FB0] =	sst s6  }
0xf: {  	[smem:$0x3FB1] =	sst s7  }
0x10: {  	[smem:$0x3FB2] =	sst s8  }
0x11: {  	[smem:$0x3FB3] =	sst s9;
	s0 =	simm.s32 @!p0 $0x0  }
0x12: {  	s1 =	sld [smem:$0x3F99];
	s0 =	simm.s32 @p0 $0x1  }
0x13: {  	[smem:$0x3FB4] =	sst s0;
	s0 =	simm.s32 @!p1 $0x0  }
0x14: {  	s2 =	sld [smem:$0x3F98];
	s0 =	simm.s32 @p1 $0x1  }
0x15: {  	[smem:$0x3FB5] =	sst s0;
	s0 =	simm.s32 @!p2 $0x0  }
0x16: {  	s3 =	sld [smem:$0x3FDB];
	s0 =	simm.s32 @p2 $0x1  }
0x17: {  	s4 =	simm.s32 $0x1BF5;
	[smem:$0x3FB7] =	sst s0  }
0x18: {  	s0 =	sld [smem:$0x3F9A];
	_ =	swait.ge [sflag:s4], $0x0  }
0x19: {  	s7 =	sld [smem:$0x3F9B]  }
0x1a: {  	s8 =	sadd.s32 $0xFFFFE003, lr  }
0x1b: {  	s9 =	sadd.s32 $0xFFFFFEF7, lr;
	s5 =	simm.s32 $0xFFFFFFFF;
	p2 =	slt.u32 s8, $0xFFFFF086  }
0x1c: {  	p1 =	slt.u32 s9, $0xF7A;
	s5 =	simm.s32 @!p2 $0x0  }
0x1d: {  	s5 =	simm.s32 @p1 $0x1;
	p0 =	seq.s32 s7, s2  }
0x1e: {  	s7 =	smul.u32 @!p0 $0xF7A, s2;
	p2 =	seq.s32 @!p0 s5, $0x0  }
0x1f: {  	s9 =	smul.u32 $0xF7A, s1;
	s8 =	simm.s32 @!p0 $0x1BF5;
	p2 =	por !p2, p0  }
0x20: {  	[sflag:s8] =	ssyncset.s32 @!p0 $0xFFFFF086;
	s6 =	sadd.s32 @!p0 s3, s7;
	s7 =	simm.s32 @!p0 $0x108  }
0x21: {  	s3 =	sadd.s32 s3, s9;
	s6 =	sadd.s32 @!p0 $0x88, s6;
	s7 =	simm.s32 @p2 $0x1082  }
0x22: {  	[simem:s7], [sflag:s8] =	dma.local @!p0 [hbm:s6], $0xF7A  }
0x23: {  	s9 =	sor.u32 $0xD0000000, s2;
	s6 =	simm.s32 $0x108;
	_ =	swait.ge @!p0 [sflag:s8], $0x0  }
0x24: {  	s3 =	sadd.s32 $0x88, s3;
	s6 =	simm.s32 @!p1 $0x1082;
	[sflag:s4] =	ssyncset.s32 $0xFFFFF086  }
0x25: {  	[simem:s6], [sflag:s4] =	dma.local [hbm:s3], $0xF7A  }
0x26: {  	[smem:$0x3F9B] =	sst s1;
	(tag) =	ssettag s2;
	_ =	strace s9  }
0x27: {  	s1 =	sld [smem:$0x3FAB]  }
0x28: {  	s2 =	sld [smem:$0x3FAC]  }
0x29: {  	s4 =	sld [smem:$0x3FAE]  }
0x2a: {  	p0 =	seq.s32 s5, $0x0;
	s5 =	sld [smem:$0x3FAF]  }
0x2b: {  	s6 =	sld [smem:$0x3FB0]  }
0x2c: {  	s7 =	sld [smem:$0x3FB1]  }
0x2d: {  	s3 =	simm.s32 $0x108;
	s8 =	sld [smem:$0x3FB2]  }
0x2e: {  	s3 =	simm.s32 @!p0 $0x1082;
	s9 =	sld [smem:$0x3FB3]  }
0x2f: {  	lr =	sadd.s32 s0, s3;
	s0 =	sld [smem:$0x3FAA]  }
0x30: {  	s3 =	sld [smem:$0x3FAD]  }
0x31: {  	[smem:$0x3FB6] =	sst s10  }
0x32: {  	s10 =	sld [smem:$0x3FB4];
	_ =	sdelay $0x3  }
0x33: {  	p0 =	seq.s32 s10, $0x1;
	s10 =	sld [smem:$0x3FB6];
	_ =	sdelay $0x3  }
0x34: {  	[smem:$0x3FB6] =	sst s10  }
0x35: {  	s10 =	sld [smem:$0x3FB5];
	_ =	sdelay $0x3  }
0x36: {  	p1 =	seq.s32 s10, $0x1;
	s10 =	sld [smem:$0x3FB6];
	_ =	sdelay $0x3  }
0x37: {  	[smem:$0x3FB6] =	sst s10  }
0x38: {  	s10 =	sld [smem:$0x3FB7]  }
0x39: {  	_ = 	snop;
	(pc) =	sbr.ind lr, $3  }
0x3a: {  	_ = 	snop  }
0x3b: {  	_ = 	snop  }
0x3c: {  	p2 =	seq.s32 s10, $0x1;
	s10 =	sld [smem:$0x3FB6]  }
0x3d: {  	_ =	shalt  }
0x3e: {  	_ =	shalt  }
0x3f: {  	_ =	shalt  }
0x40: {  	_ =	shalt  }
0x41: {  	_ =	shalt  }
0x42: {  	_ =	shalt  }
0x43: {  	_ =	shalt  }
0x44: {  	_ =	shalt  }
0x45: {  	_ =	shalt  }
0x46: {  	_ =	shalt  }
0x47: {  	_ =	shalt  }
0x48: {  	_ =	shalt  }
0x49: {  	_ =	shalt  }
0x4a: {  	_ =	shalt  }
0x4b: {  	_ =	shalt  }
0x4c: {  	_ =	shalt  }
0x4d: {  	_ =	shalt  }
0x4e: {  	_ =	shalt  }
0x4f: {  	_ =	shalt  }
0x50: {  	_ =	shalt  }
0x51: {  	_ =	shalt  }
0x52: {  	_ =	shalt  }
0x53: {  	_ =	shalt  }
0x54: {  	_ =	shalt  }
0x55: {  	_ =	shalt  }
0x56: {  	_ =	shalt  }
0x57: {  	_ =	shalt  }
0x58: {  	_ =	shalt  }
0x59: {  	_ =	shalt  }
0x5a: {  	_ =	shalt  }
0x5b: {  	_ =	shalt  }
0x5c: {  	_ =	shalt  }
0x5d: {  	_ =	shalt  }
0x5e: {  	_ =	shalt  }
0x5f: {  	_ =	shalt  }
0x60: {  	_ =	shalt  }
0x61: {  	_ =	shalt  }
0x62: {  	_ =	shalt  }
0x63: {  	_ =	shalt  }
0x64: {  	_ =	shalt  }
0x65: {  	_ =	shalt  }
0x66: {  	_ =	shalt  }
0x67: {  	_ =	shalt  }
0x68: {  	_ =	shalt  }
0x69: {  	_ =	shalt  }
0x6a: {  	_ =	shalt  }
0x6b: {  	_ =	shalt  }
0x6c: {  	_ =	shalt  }
0x6d: {  	_ =	shalt  }
0x6e: {  	_ =	shalt  }
0x6f: {  	_ =	shalt  }
0x70: {  	_ =	shalt  }
0x71: {  	_ =	shalt  }
0x72: {  	_ =	shalt  }
0x73: {  	_ =	shalt  }
0x74: {  	_ =	shalt  }
0x75: {  	_ =	shalt  }
0x76: {  	_ =	shalt  }
0x77: {  	_ =	shalt  }
0x78: {  	_ =	shalt  }
0x79: {  	_ =	shalt  }
0x7a: {  	_ =	shalt  }
0x7b: {  	_ =	shalt  }
0x7c: {  	_ =	shalt  }
0x7d: {  	_ =	shalt  }
0x7e: {  	_ =	shalt  }
0x7f: {  	_ =	shalt  }
0x80: {  	_ =	shalt  }
0x81: {  	_ =	shalt  }
0x82: {  	_ =	shalt  }
0x83: {  	_ =	shalt  }
0x84: {  	_ =	shalt  }
0x85: {  	_ =	shalt  }
0x86: {  	_ =	shalt  }
0x87: {  	_ =	shalt  }
.Lfunc_end0:
.L_simem_size_0:
called_computation.2_lowered:
.L_overlay_start_0:
0x88: {  	s2 =	sld [smem:$0x3FD9]  }
0x89: {  	s3 =	sld [smem:$0x3FFE];
	_ =	sdelay $0x1  }
0x8a: {  	s1 =	srdreg.scid  }
0x8b: {  	s0 =	sand.u32 $0x1, s1  }
0x8c: {  	s17 =	sshll.u32 s0, $0xA;
	s2 =	sadd.s32 s3, s2  }
0x8d: {  	s2 =	sadd.s32 s2, s17  }
0x8e: {  	[smem:$0x3FC2] =	sst s2  }
0x8f: {  	_ = 	snop  }
0x90: {  	s2 =	sld [smem:$0x3FD0];
	(tm) =	ssettm $0x1  }
0x91: {  	s18 =	sld [smem:$0x3FFB];
	_ =	sdelay $0x3  }
0x92: {  	_ =	strace s18  }
0x93: {  	s3 =	sld [smem:$0x3FFC];
	_ =	sdelay $0x3  }
0x94: {  	_ =	strace s3  }
0x95: {  	s3 =	sld [smem:$0x3FFD];
	_ =	sdelay $0x3  }
0x96: {  	_ =	strace s3  }
0x97: {  	_ =	strace $0x8FFFFFFF  }
0x98: {  	s19 =	sld [smem:$0x3FDB];
	_ =	sdelay $0x1  }
0x99: {  	s4 =	simm.s32 $_scs_section_size  }
0x9a: {  	s5 =	simm.s32 $_size__tile_overlayer_lowered;
	s6 =	simm.s32 $_tile_overlayer_lowered  }
0x9b: {  	s22 =	simm.s32 $0x1BFF;
	s21 =	sshll.u32 s6, $0x1;
	s3 =	sadd.s32 s4, s19  }
0x9c: {  	s7 =	simm.s32 $0x0;
	s20 =	sshll.u32 s5, $0x1;
	s5 =	sadd.s32 s21, s3  }
0x9d: {  	[timem:s7], [sflag:s22] =	dma.local [hbm:s5], s20  }
0x9e: {  	_ =	swait.ge [sflag:s22], s20  }
0x9f: {  	s4 =	ssub.s32 $0x0, s20;
	[sflag:s22] =	ssyncset.done $0x0  }
0xa0: {  	[sflag:s22] =	ssyncadd.s32 s4;
	_ =	sdelay $0x1  }
0xa1: {  	s23 =	simm.s32 $0x1B8B  }
0xa2: {  	_ =	swait.ge [sflag:s23], $0x1  }
0xa3: {  	[sflag:s23] =	ssyncset.done $0x0  }
0xa4: {  	s25 =	simm.s32 $0x1B8E;
	s24 =	sld [smem:$0x3FFE];
	[sflag:s23] =	ssyncadd.s32 $0xFFFFFFFF  }
0xa5: {  	s26 =	simm.s32 $execute0_lowered;
	[smem:$0x3FD2] =	sst s25  }
0xa6: {  	s5 =	sshll.u32 s26, $0x1;
	_ =	strace $0x8000004C;
	[dreg:$0x1] =	wrdreg $0xFFFFFFFF  }
0xa7: {  	s28 =	simm.s32 $_size_execute0_lowered;
	s3 =	sadd.s32 s3, s5;
	[dreg:$0x0] =	wrdreg $0x0  }
0xa8: {  	s5 =	sshll.u32 s28, $0x1;
	[dreg:$0x2] =	wrdreg s3  }
0xa9: {  	[dreg:$0x3] =	wrdreg s5  }
0xaa: {  	[dreg:$0x4] =	wrdreg $0xC0  }
0xab: {  	_ =	task [dreg:s7], $0x5FFFF  }
0xac: {  	[dreg:$0x1] =	wrdreg $0xFFFFFFFF  }
0xad: {  	[dreg:$0x0] =	wrdreg $0x60  }
0xae: {  	[dreg:$0x2] =	wrdreg s2  }
0xaf: {  	[dreg:$0x3] =	wrdreg s24  }
0xb0: {  	[dreg:$0x4] =	wrdreg $0x67000  }
0xb1: {  	[dreg:$0x5] =	wrdreg $0x8E800  }
0xb2: {  	[dreg:$0x6] =	wrdreg $0x9  }
0xb3: {  	_ =	task.clear_ibuf [dreg:s7], $0x7FFFF;
	_ =	strace $0x9000004C  }
0xb4: {  	s29 =	simm.s32 $0x9;
	_ =	strace $0x8000004E  }
0xb5: {  	_ =	swait.ge [sflag:s29], $0x1  }
0xb6: {  	[sflag:s29] =	ssyncadd.s32 $0xFFFFFFFF  }
0xb7: {  	_ =	strace $0x9000004E  }
0xb8: {  	_ =	sfence  }
0xb9: {  	s30 =	sld [smem:$0x0];
	_ =	sdelay $0x2  }
0xba: {  	s31 =	sshll.u32 s1, $0xD;
	s1 =	sshrl.u32 s1, $0x2  }
0xbb: {  	s3 =	sand.u32 $0x4000, s31;
	s1 =	sadd.s32 s1, s30  }
0xbc: {  	s0 =	sor.u32 s3, s0;
	s1 =	sshll.u32 s1, $0x11  }
0xbd: {  	s0 =	sor.u32 s1, s0  }
0xbe: {  	s0 =	sadd.s32 $0x8F2B, s0  }
0xbf: {  	[sflag:s0] =	ssyncadd.remote.s32 $0x1  }
0xc0: {  	_ =	sfence.sel $0xFFFF  }
0xc1: {  	[dreg:$0x0] =	wrdreg $0xFFFFFFFF;
	(pc) =	sbr.abs _section_cstart, $3  }
0xc2: {  	[dreg:$0x1] =	wrdreg $0xFFFFFFFF  }
0xc3: {  	_ =	task.clear_ibuf [dreg:s7], $0x2FFFF;
	_ =	strace $0x9FFFFFFF  }
0xc4: {  	(tm) =	ssettm $0x7FFFFFFF  }
0xc5: {  	_ =	shalt  }
tec
execute0_lowered:
.L_overlay_start_1:
0x0: {  	(tag) =	ssettag $0x1  }
0x1: {  	s1 =	rddreg [dreg:$0x0]  }
0x2: {  	s6 =	rddreg [dreg:$0x1]  }
0x3: {  	s3 =	rddreg [dreg:$0x2]  }
0x4: {  	s4 =	rddreg [dreg:$0x3]  }
0x5: {  	s2 =	stileid.u32;
	s7 =	srdreg.scid;
	s5 =	simm.s32 $0x0  }
0x6: {  	s20 =	simm.s32 $0x5700;
	s21 =	simm.s32 $0x5F00;
	s22 =	simm.s32 $0x4F00  }
0x7: {  	s23 =	simm.s32 $0x1;
	s24 =	simm.s32 $0x2;
	s25 =	simm.s32 $0x3  }
0x8: {  	s26 =	simm.s32 $0x0;
	s8 =	smul.u32 $0x2780, s2;
	s7 =	sand.u32 $0x1, s7  }
0x9: {  	[smem:$0x7FF] =	sst s5;
	s11 =	sadd.s32 $0xE400, s6;
	s12 =	sadd.s32 $0x1C00, s6  }
0xa: {  	s29 =	sshll.u32 s2, $0x6;
	s19 =	sshll.u32 s2, $0x4;
	s9 =	smul.u32 $0x27800, s7  }
0xb: {  	_ =	strace $0x8000004D;
	s14 =	ssub.s32 $0x2, s7;
	s7 =	sshll.u32 s7, $0x4  }
0xc: {  	s31 =	sor.u32 $0x9C00, s19;
	s19 =	simm.s32 $0x80;
	s10 =	sshrl.u32 s8, $0x3  }
0xd: {  	s28 =	sshrl.u32 s14, $0x1;
	s16 =	sor.u32 s2, s7;
	s17 =	sadd.s32 s8, s3  }
0xe: {  	s7 =	sor.u32 $0x1C04, s29;
	s18 =	sadd.s32 s8, s4;
	s9 =	sadd.s32 s8, s9  }
0xf: {  	s13 =	sadd.s32 s10, s6;
	s14 =	ssub.s32 s14, s28;
	s30 =	smul.u32 $0x4E0, s16  }
0x10: {  	p0 =	sgt.u32 s16, $0x3;
	s16 =	simm.s32 $0x4;
	s9 =	sshrl.u32 s9, $0x3  }
0x11: {  	s8 =	sadd.s32 $0x21E00, s13;
	s14 =	smax.u32 s14, $0x1;
	s15 =	sadd.s32 s9, s6  }
0x12: {  	s6 =	sadd.s32 s1, s10;
	s9 =	sadd.s32 s11, s30;
	s10 =	sadd.s32 s12, s30  }
0x13: {  	s11 =	sadd.s32 s11, s31;
	s12 =	sadd.s32 s12, s31;
	s13 =	sadd.s32 $0x26E00, s15  }
0x14: {  	s15 =	sshrl.u32 s17, $0x3;
	s17 =	sshrl.u32 s18, $0x3;
	s18 =	simm.s32 $0x2700  }
.LBB2_1:
0x15: {  	[spmem:s15], [sflag:s7] =	dma.local [hbm:s6], $0x4F0  }
0x16: {  	_ =	swait.ge [sflag:s16], $0x4F0  }
0x17: {  	[sflag:s16] =	ssyncset.done $0x0  }
0x18: {  	[sflag:s16] =	ssyncadd.s32 $0xFFFFFB10  }
0x19: {  	[spmem:s17], [sflag:s7] =	dma.local [hbm:s8], $0x4F0  }
0x1a: {  	_ =	swait.ge [sflag:s16], $0x4F0  }
0x1b: {  	[sflag:s16] =	ssyncset.done $0x0  }
0x1c: {  	[sflag:s16] =	ssyncadd.s32 $0xFFFFFB10  }
0x1d: {  	[tilespmem:s5], [sflag:$0x4] =	stream.linear.gather [hbm4b:s9+s5], $0x2700, $0x38;
	[tilespmem:$0xB600] =	vst v63  }
0x1e: {  	_ =	swait.ge [sflag:s16], $0x2700  }
0x1f: {  	[sflag:s16] =	ssyncset.done $0x0  }
0x20: {  	[sflag:s16] =	ssyncadd.s32 $0xFFFFD900  }
0x21: {  	[tilespmem:s18], [sflag:$0x4] =	stream.linear.gather [hbm4b:s10+s5], $0x2700, $0x38;
	[tilespmem:$0xB600] =	vst v63  }
0x22: {  	_ =	swait.ge [sflag:s16], $0x2700  }
0x23: {  	[sflag:s16] =	ssyncset.done $0x0  }
0x24: {  	s28 =	simm.s32 @!p0 $0x0;
	s29 =	simm.s32 @!p0 $0x4E00;
	[sflag:s16] =	ssyncadd.s32 $0xFFFFD900  }
0x25: {  	[tilespmem:s29], [sflag:$0x4] =	stream.linear.gather @!p0 [hbm4b:s11+s28], $0x80, $0x38;
	[tilespmem:$0xB600] =	vst v63  }
0x26: {  	s29 =	simm.s32 @!p0 $0x4  }
0x27: {  	_ =	swait.ge @!p0 [sflag:s29], $0x80  }
0x28: {  	[sflag:s29] =	ssyncset.done @!p0 $0x0  }
0x29: {  	s30 =	simm.s32 @!p0 $0x4E80;
	[sflag:s29] =	ssyncadd.s32 @!p0 $0xFFFFFF80  }
0x2a: {  	[tilespmem:s30], [sflag:$0x4] =	stream.linear.gather @!p0 [hbm4b:s12+s28], $0x80, $0x38;
	[tilespmem:$0xB600] =	vst v63  }
0x2b: {  	_ =	swait.ge @!p0 [sflag:s29], $0x80  }
0x2c: {  	[sflag:s29] =	ssyncset.done @!p0 $0x0  }
0x2d: {  	[sflag:s29] =	ssyncadd.s32 @!p0 $0xFFFFFF80  }
0x2e: {  	s28 =	simm.s32 $0x80;
	[bflag:$0x0] =	sbarrier.arrive $0xFFFF  }
0x2f: {  	[tilespmem:s20], [sflag:$0x2] =	stream.indirect.gather [hbm4b:s1+s19], $0x10, s28, s19, $0xb8;
	[tilespmem:$0xB600] =	vst v63  }
0x30: {  	s28 =	simm.s32 $0x100  }
0x31: {  	[tilespmem:s21], [sflag:$0x3] =	stream.indirect.gather [hbm4b:s1+s19], $0x10, s28, s19, $0xb8;
	[tilespmem:$0xB600] =	vst v63  }
0x32: {  	s28 =	simm.s32 $0x0  }
0x33: {  	[tilespmem:s22], [sflag:$0x1] =	stream.indirect.gather [spmem:s3], $0x10, s28, s19, $0xb8;
	[tilespmem:$0xB600] =	vst v63  }
0x34: {  	_ =	swait.ge [sflag:s23], $0x800  }
0x35: {  	[sflag:s23] =	ssyncset.done $0x0  }
0x36: {  	s28 =	simm.s32 $0x2700;
	[sflag:s23] =	ssyncadd.s32 $0xFFFFF800  }
0x37: {  	[spmem:s4] =	stream.indirect.scatter.add.f32 [tilespmem:s22], [sflag:$0x4], $0x10, s28, s19, $0xb8;
	[tilespmem:$0xB600] =	vst v63  }
0x38: {  	_ =	swait.ge [sflag:s16], $0x800  }
0x39: {  	[sflag:s16] =	ssyncset.done $0x0  }
0x3a: {  	[sflag:s16] =	ssyncadd.s32 $0xFFFFF800  }
0x3b: {  	_ =	swait.ge [sflag:s24], $0x800  }
0x3c: {  	[sflag:s24] =	ssyncset.done $0x0  }
0x3d: {  	s28 =	simm.s32 $0x2780;
	[sflag:s24] =	ssyncadd.s32 $0xFFFFF800  }
0x3e: {  	[spmem:s4] =	stream.indirect.scatter.add.f32 [tilespmem:s20], [sflag:$0x4], $0x10, s28, s19, $0xb8;
	[tilespmem:$0xB600] =	vst v63  }
0x3f: {  	_ =	swait.ge [sflag:s16], $0x800  }
0x40: {  	[sflag:s16] =	ssyncset.done $0x0  }
0x41: {  	[sflag:s16] =	ssyncadd.s32 $0xFFFFF800  }
0x42: {  	_ =	swait.ge [sflag:s25], $0x800  }
0x43: {  	[sflag:s25] =	ssyncset.done $0x0  }
0x44: {  	s28 =	simm.s32 $0x2800;
	[sflag:s25] =	ssyncadd.s32 $0xFFFFF800  }
0x45: {  	[spmem:s4] =	stream.indirect.scatter.add.f32 [tilespmem:s21], [sflag:$0x4], $0x10, s28, s19, $0xb8;
	[tilespmem:$0xB600] =	vst v63  }
0x46: {  	_ =	swait.ge [sflag:s16], $0x800  }
0x47: {  	s29 =	simm.s32 $0xC00;
	s28 =	simm.s32 $0x180;
	[sflag:s16] =	ssyncset.done $0x0  }
.LBB2_2:
0x48: {  	s30 =	sadd.s32 $0x80, s28  }
0x49: {  	[sflag:s16] =	ssyncadd.s32 $0xFFFFF800;
	s31 =	smov.u32 s29;
	s0 =	sadd.s32 $0x600, s29  }
0x4a: {  	[tilespmem:s20], [sflag:$0x2] =	stream.indirect.gather [hbm4b:s1+s19], $0x10, s30, s19, $0xb8;
	[tilespmem:$0xB600] =	vst v63  }
0x4b: {  	p1 =	sne.s32 s29, $0x9600;
	s29 =	sadd.s32 $0x100, s28  }
0x4c: {  	[tilespmem:s21], [sflag:$0x3] =	stream.indirect.gather [hbm4b:s1+s19], $0x10, s29, s19, $0xb8;
	[tilespmem:$0xB600] =	vst v63  }
0x4d: {  	_ = 	snop  }
0x4e: {  	[tilespmem:s22], [sflag:$0x1] =	stream.indirect.gather [spmem:s3], $0x10, s28, s19, $0xb8;
	[tilespmem:$0xB600] =	vst v63  }
0x4f: {  	_ =	swait.ge [sflag:s23], $0x800  }
0x50: {  	[sflag:s23] =	ssyncset.done $0x0  }
0x51: {  	s29 =	sadd.s32 $0x2700, s28;
	[sflag:s23] =	ssyncadd.s32 $0xFFFFF800  }
0x52: {  	[spmem:s4] =	stream.indirect.scatter.add.f32 [tilespmem:s22], [sflag:$0x4], $0x10, s29, s19, $0xb8;
	[tilespmem:$0xB600] =	vst v63  }
0x53: {  	_ =	swait.ge [sflag:s16], $0x800  }
0x54: {  	[sflag:s16] =	ssyncset.done $0x0  }
0x55: {  	[sflag:s16] =	ssyncadd.s32 $0xFFFFF800  }
0x56: {  	_ =	swait.ge [sflag:s24], $0x800  }
0x57: {  	[sflag:s24] =	ssyncset.done $0x0  }
0x58: {  	s29 =	sadd.s32 $0x2780, s28;
	[sflag:s24] =	ssyncadd.s32 $0xFFFFF800  }
0x59: {  	[spmem:s4] =	stream.indirect.scatter.add.f32 [tilespmem:s20], [sflag:$0x4], $0x10, s29, s19, $0xb8;
	[tilespmem:$0xB600] =	vst v63  }
0x5a: {  	_ =	swait.ge [sflag:s16], $0x800  }
0x5b: {  	[sflag:s16] =	ssyncset.done $0x0  }
0x5c: {  	[sflag:s16] =	ssyncadd.s32 $0xFFFFF800  }
0x5d: {  	_ =	swait.ge [sflag:s25], $0x800  }
.Ltmp0:
0x5e: {  	[sflag:s25] =	ssyncset.done $0x0;
	(pc) =	sbr.rel @p1 .LBB2_2-.Ltmp0, $4  }
0x5f: {  	s28 =	sadd.s32 $0x2800, s28;
	[sflag:s25] =	ssyncadd.s32 $0xFFFFF800  }
0x60: {  	[spmem:s4] =	stream.indirect.scatter.add.f32 [tilespmem:s21], [sflag:$0x4], $0x10, s28, s19, $0xb8;
	[tilespmem:$0xB600] =	vst v63  }
0x61: {  	_ =	swait.ge [sflag:s16], $0x800  }
0x62: {  	s29 =	smov.u32 s0;
	s28 =	sshra.s32 s31, $0x2;
	[sflag:s16] =	ssyncset.done $0x0  }
0x63: {  	s0 =	sadd.s32 $0x80, s28;
	[sflag:s16] =	ssyncadd.s32 $0xFFFFF800  }
0x64: {  	[tilespmem:s20], [sflag:$0x2] =	stream.indirect.gather [hbm4b:s1+s19], $0x10, s0, s19, $0xb8;
	[tilespmem:$0xB600] =	vst v63  }
0x65: {  	s31 =	sadd.s32 $0x100, s28  }
0x66: {  	[tilespmem:s21], [sflag:$0x3] =	stream.indirect.gather [hbm4b:s1+s19], $0x10, s31, s19, $0xb8;
	[tilespmem:$0xB600] =	vst v63  }
0x67: {  	_ = 	snop  }
0x68: {  	[tilespmem:s22], [sflag:$0x1] =	stream.indirect.gather [spmem:s3], $0x10, s28, s19, $0xb8;
	[tilespmem:$0xB600] =	vst v63  }
0x69: {  	_ =	swait.ge [sflag:s23], $0x800  }
0x6a: {  	[sflag:s23] =	ssyncset.done $0x0  }
0x6b: {  	s29 =	sadd.s32 $0x2700, s28;
	[sflag:s23] =	ssyncadd.s32 $0xFFFFF800  }
0x6c: {  	[spmem:s4] =	stream.indirect.scatter.add.f32 [tilespmem:s22], [sflag:$0x4], $0x10, s29, s19, $0xb8;
	[tilespmem:$0xB600] =	vst v63  }
0x6d: {  	_ =	swait.ge [sflag:s16], $0x800  }
0x6e: {  	[sflag:s16] =	ssyncset.done $0x0  }
0x6f: {  	[sflag:s16] =	ssyncadd.s32 $0xFFFFF800  }
0x70: {  	_ =	swait.ge [sflag:s24], $0x800  }
0x71: {  	[sflag:s24] =	ssyncset.done $0x0  }
0x72: {  	s30 =	sadd.s32 $0x2780, s28;
	[sflag:s24] =	ssyncadd.s32 $0xFFFFF800  }
0x73: {  	[spmem:s4] =	stream.indirect.scatter.add.f32 [tilespmem:s20], [sflag:$0x4], $0x10, s30, s19, $0xb8;
	[tilespmem:$0xB600] =	vst v63  }
0x74: {  	_ =	swait.ge [sflag:s16], $0x800  }
0x75: {  	[sflag:s16] =	ssyncset.done $0x0  }
0x76: {  	[sflag:s16] =	ssyncadd.s32 $0xFFFFF800  }
0x77: {  	_ =	swait.ge [sflag:s25], $0x800  }
0x78: {  	[sflag:s25] =	ssyncset.done $0x0  }
0x79: {  	s31 =	sadd.s32 $0x2800, s28;
	[sflag:s25] =	ssyncadd.s32 $0xFFFFF800  }
0x7a: {  	[spmem:s4] =	stream.indirect.scatter.add.f32 [tilespmem:s21], [sflag:$0x4], $0x10, s31, s19, $0xb8;
	[tilespmem:$0xB600] =	vst v63  }
0x7b: {  	_ =	swait.ge [sflag:s16], $0x800  }
0x7c: {  	s0 =	simm.s32 @!p0 $0x80;
	[sflag:s16] =	ssyncset.done $0x0  }
0x7d: {  	s28 =	simm.s32 @!p0 $0x4E00;
	s29 =	simm.s32 @!p0 $0x4F00;
	[sflag:s16] =	ssyncadd.s32 $0xFFFFF800  }
0x7e: {  	[tilespmem:s29], [sflag:$0x1] =	stream.indirect.gather @!p0 [spmem:s3], $0x10, s28, s0, $0xb8;
	[tilespmem:$0xB600] =	vst v63  }
0x7f: {  	s28 =	simm.s32 @!p0 $0x1  }
0x80: {  	_ =	swait.ge @!p0 [sflag:s28], $0x800  }
0x81: {  	[sflag:s28] =	ssyncset.done @!p0 $0x0  }
0x82: {  	[sflag:s28] =	ssyncadd.s32 @!p0 $0xFFFFF800;
	s28 =	simm.s32 @!p0 $0x4E80  }
0x83: {  	[spmem:s4] =	stream.indirect.scatter.add.f32 @!p0 [tilespmem:s29], [sflag:$0x4], $0x10, s28, s0, $0xb8;
	[tilespmem:$0xB600] =	vst v63  }
0x84: {  	s0 =	simm.s32 @!p0 $0x4  }
0x85: {  	_ =	swait.ge @!p0 [sflag:s0], $0x800  }
0x86: {  	s26 =	sadd.s32 $0x1, s26;
	[sflag:s0] =	ssyncset.done @!p0 $0x0  }
0x87: {  	p1 =	sne.s32 s26, s14;
	[sflag:s0] =	ssyncadd.s32 @!p0 $0xFFFFF800  }
.Ltmp1:
0x88: {  	[bflag:$0x0] =	sbarrier.arrive $0xFFFF;
	(pc) =	sbr.rel @p1 .LBB2_1-.Ltmp1, $4  }
0x89: {  	[hbm:s13], [sflag:s7] =	dma.local [spmem:s17], $0x4F0  }
0x8a: {  	_ =	swait.ge [sflag:s16], $0x4F0  }
0x8b: {  	[sflag:s16] =	ssyncset.done $0x0  }
0x8c: {  	[sflag:s16] =	ssyncadd.s32 $0xFFFFFB10  }
0x8d: {  	_ =	sfence.sel $0x180000  }
0x8e: {  	[bflag:$0x0] =	sbarrier.arrive $0xFFFF  }
0x8f: {  	_ =	strace $0x9000004D  }
0x90: {  	[bflag:$0x2] =	sbarrier.arrive $0xFFFF  }
0x91: {  	p0 =	sne.s32 s2, $0x0;
	s0 =	rddreg [dreg:$0x4]  }
0x92: {  	s0 =	sadd.s32 @!p0 $0x100000, s0  }
0x93: {  	[sflag:s0] =	ssyncadd.tile.s32 @!p0 $0x1;
	_ =	shalt  }
.Lfunc_end2:
_tile_overlayer_lowered:
.L_overlay_start_2:
0x94: {  	(tag) =	ssettag $0x2  }
0x95: {  	s0 =	rddreg [dreg:$0x0];
	s2 =	stileid.u32  }
0x96: {  	s1 =	rddreg [dreg:$0x1];
	p0 =	sne.s32 s2, $0x0  }
0x97: {  	s3 =	rddreg [dreg:$0x2];
	[bflag:$0x3] =	sbarrier.arrive $0xFFFF;
	s2 =	simm.s32 @!p0 $0x1C04  }
0x98: {  	[timem:s3], [sflag:s2] =	dma.local @!p0 [hbm:s0], s1  }
0x99: {  	s0 =	simm.s32 @!p0 $0x4  }
0x9a: {  	_ =	swait.ge @!p0 [sflag:s0], s1  }
0x9b: {  	s1 =	ssub.s32 @!p0 $0x0, s1;
	[sflag:s0] =	ssyncset.done @!p0 $0x0  }
0x9c: {  	[sflag:s0] =	ssyncadd.s32 @!p0 s1  }
0x9d: {  	[bflag:$0x3] =	sbarrier.arrive $0xFFFF  }
0x9e: {  	_ =	shalt  }

// kernel: kernel.8.cloned.1.call-start
scs
__scs_entry_jumppad:
0x0: {  	(pc) =	sbr.rel $0x88, $3  }
0x1: {  	(tag) =	ssettag $0x0;
	lr =	simm.s32 $0x1  }
0x2: {  	[smem:$0x3F9B] =	sst lr;
	_ =	strace $0xD0000000  }
0x3: {  	_ = 	snop  }
0x4: {  	_ = 	snop  }
0x5: {  	_ = 	snop  }
0x6: {  	_ = 	snop  }
0x7: {  	_ = 	snop  }
__scs_overlays_trampoline_lowered:
0x8: {  	[smem:$0x3FAA] =	sst s0  }
0x9: {  	[smem:$0x3FAB] =	sst s1  }
0xa: {  	[smem:$0x3FAC] =	sst s2  }
0xb: {  	[smem:$0x3FAD] =	sst s3  }
0xc: {  	[smem:$0x3FAE] =	sst s4  }
0xd: {  	[smem:$0x3FAF] =	sst s5  }
0xe: {  	[smem:$0x3FB0] =	sst s6  }
0xf: {  	[smem:$0x3FB1] =	sst s7  }
0x10: {  	[smem:$0x3FB2] =	sst s8  }
0x11: {  	[smem:$0x3FB3] =	sst s9;
	s0 =	simm.s32 @!p0 $0x0  }
0x12: {  	s1 =	sld [smem:$0x3F99];
	s0 =	simm.s32 @p0 $0x1  }
0x13: {  	[smem:$0x3FB4] =	sst s0;
	s0 =	simm.s32 @!p1 $0x0  }
0x14: {  	s2 =	sld [smem:$0x3F98];
	s0 =	simm.s32 @p1 $0x1  }
0x15: {  	[smem:$0x3FB5] =	sst s0;
	s0 =	simm.s32 @!p2 $0x0  }
0x16: {  	s3 =	sld [smem:$0x3FDB];
	s0 =	simm.s32 @p2 $0x1  }
0x17: {  	s4 =	simm.s32 $0x1BF5;
	[smem:$0x3FB7] =	sst s0  }
0x18: {  	s0 =	sld [smem:$0x3F9A];
	_ =	swait.ge [sflag:s4], $0x0  }
0x19: {  	s7 =	sld [smem:$0x3F9B]  }
0x1a: {  	s8 =	sadd.s32 $0xFFFFE003, lr  }
0x1b: {  	s9 =	sadd.s32 $0xFFFFFEF7, lr;
	s5 =	simm.s32 $0xFFFFFFFF;
	p2 =	slt.u32 s8, $0xFFFFF086  }
0x1c: {  	p1 =	slt.u32 s9, $0xF7A;
	s5 =	simm.s32 @!p2 $0x0  }
0x1d: {  	s5 =	simm.s32 @p1 $0x1;
	p0 =	seq.s32 s7, s2  }
0x1e: {  	s7 =	smul.u32 @!p0 $0xF7A, s2;
	p2 =	seq.s32 @!p0 s5, $0x0  }
0x1f: {  	s9 =	smul.u32 $0xF7A, s1;
	s8 =	simm.s32 @!p0 $0x1BF5;
	p2 =	por !p2, p0  }
0x20: {  	[sflag:s8] =	ssyncset.s32 @!p0 $0xFFFFF086;
	s6 =	sadd.s32 @!p0 s3, s7;
	s7 =	simm.s32 @!p0 $0x108  }
0x21: {  	s3 =	sadd.s32 s3, s9;
	s6 =	sadd.s32 @!p0 $0x88, s6;
	s7 =	simm.s32 @p2 $0x1082  }
0x22: {  	[simem:s7], [sflag:s8] =	dma.local @!p0 [hbm:s6], $0xF7A  }
0x23: {  	s9 =	sor.u32 $0xD0000000, s2;
	s6 =	simm.s32 $0x108;
	_ =	swait.ge @!p0 [sflag:s8], $0x0  }
0x24: {  	s3 =	sadd.s32 $0x88, s3;
	s6 =	simm.s32 @!p1 $0x1082;
	[sflag:s4] =	ssyncset.s32 $0xFFFFF086  }
0x25: {  	[simem:s6], [sflag:s4] =	dma.local [hbm:s3], $0xF7A  }
0x26: {  	[smem:$0x3F9B] =	sst s1;
	(tag) =	ssettag s2;
	_ =	strace s9  }
0x27: {  	s1 =	sld [smem:$0x3FAB]  }
0x28: {  	s2 =	sld [smem:$0x3FAC]  }
0x29: {  	s4 =	sld [smem:$0x3FAE]  }
0x2a: {  	p0 =	seq.s32 s5, $0x0;
	s5 =	sld [smem:$0x3FAF]  }
0x2b: {  	s6 =	sld [smem:$0x3FB0]  }
0x2c: {  	s7 =	sld [smem:$0x3FB1]  }
0x2d: {  	s3 =	simm.s32 $0x108;
	s8 =	sld [smem:$0x3FB2]  }
0x2e: {  	s3 =	simm.s32 @!p0 $0x1082;
	s9 =	sld [smem:$0x3FB3]  }
0x2f: {  	lr =	sadd.s32 s0, s3;
	s0 =	sld [smem:$0x3FAA]  }
0x30: {  	s3 =	sld [smem:$0x3FAD]  }
0x31: {  	[smem:$0x3FB6] =	sst s10  }
0x32: {  	s10 =	sld [smem:$0x3FB4];
	_ =	sdelay $0x3  }
0x33: {  	p0 =	seq.s32 s10, $0x1;
	s10 =	sld [smem:$0x3FB6];
	_ =	sdelay $0x3  }
0x34: {  	[smem:$0x3FB6] =	sst s10  }
0x35: {  	s10 =	sld [smem:$0x3FB5];
	_ =	sdelay $0x3  }
0x36: {  	p1 =	seq.s32 s10, $0x1;
	s10 =	sld [smem:$0x3FB6];
	_ =	sdelay $0x3  }
0x37: {  	[smem:$0x3FB6] =	sst s10  }
0x38: {  	s10 =	sld [smem:$0x3FB7]  }
0x39: {  	_ = 	snop;
	(pc) =	sbr.ind lr, $3  }
0x3a: {  	_ = 	snop  }
0x3b: {  	_ = 	snop  }
0x3c: {  	p2 =	seq.s32 s10, $0x1;
	s10 =	sld [smem:$0x3FB6]  }
0x3d: {  	_ =	shalt  }
0x3e: {  	_ =	shalt  }
0x3f: {  	_ =	shalt  }
0x40: {  	_ =	shalt  }
0x41: {  	_ =	shalt  }
0x42: {  	_ =	shalt  }
0x43: {  	_ =	shalt  }
0x44: {  	_ =	shalt  }
0x45: {  	_ =	shalt  }
0x46: {  	_ =	shalt  }
0x47: {  	_ =	shalt  }
0x48: {  	_ =	shalt  }
0x49: {  	_ =	shalt  }
0x4a: {  	_ =	shalt  }
0x4b: {  	_ =	shalt  }
0x4c: {  	_ =	shalt  }
0x4d: {  	_ =	shalt  }
0x4e: {  	_ =	shalt  }
0x4f: {  	_ =	shalt  }
0x50: {  	_ =	shalt  }
0x51: {  	_ =	shalt  }
0x52: {  	_ =	shalt  }
0x53: {  	_ =	shalt  }
0x54: {  	_ =	shalt  }
0x55: {  	_ =	shalt  }
0x56: {  	_ =	shalt  }
0x57: {  	_ =	shalt  }
0x58: {  	_ =	shalt  }
0x59: {  	_ =	shalt  }
0x5a: {  	_ =	shalt  }
0x5b: {  	_ =	shalt  }
0x5c: {  	_ =	shalt  }
0x5d: {  	_ =	shalt  }
0x5e: {  	_ =	shalt  }
0x5f: {  	_ =	shalt  }
0x60: {  	_ =	shalt  }
0x61: {  	_ =	shalt  }
0x62: {  	_ =	shalt  }
0x63: {  	_ =	shalt  }
0x64: {  	_ =	shalt  }
0x65: {  	_ =	shalt  }
0x66: {  	_ =	shalt  }
0x67: {  	_ =	shalt  }
0x68: {  	_ =	shalt  }
0x69: {  	_ =	shalt  }
0x6a: {  	_ =	shalt  }
0x6b: {  	_ =	shalt  }
0x6c: {  	_ =	shalt  }
0x6d: {  	_ =	shalt  }
0x6e: {  	_ =	shalt  }
0x6f: {  	_ =	shalt  }
0x70: {  	_ =	shalt  }
0x71: {  	_ =	shalt  }
0x72: {  	_ =	shalt  }
0x73: {  	_ =	shalt  }
0x74: {  	_ =	shalt  }
0x75: {  	_ =	shalt  }
0x76: {  	_ =	shalt  }
0x77: {  	_ =	shalt  }
0x78: {  	_ =	shalt  }
0x79: {  	_ =	shalt  }
0x7a: {  	_ =	shalt  }
0x7b: {  	_ =	shalt  }
0x7c: {  	_ =	shalt  }
0x7d: {  	_ =	shalt  }
0x7e: {  	_ =	shalt  }
0x7f: {  	_ =	shalt  }
0x80: {  	_ =	shalt  }
0x81: {  	_ =	shalt  }
0x82: {  	_ =	shalt  }
0x83: {  	_ =	shalt  }
0x84: {  	_ =	shalt  }
0x85: {  	_ =	shalt  }
0x86: {  	_ =	shalt  }
0x87: {  	_ =	shalt  }
.Lfunc_end0:
.L_simem_size_0:
called_computation_lowered:
.L_overlay_start_0:
0x88: {  	s2 =	sld [smem:$0x3FD9]  }
0x89: {  	s3 =	sld [smem:$0x3FFE];
	_ =	sdelay $0x1  }
0x8a: {  	s1 =	srdreg.scid  }
0x8b: {  	s0 =	sand.u32 $0x1, s1  }
0x8c: {  	s17 =	sshll.u32 s0, $0xA;
	s2 =	sadd.s32 s3, s2  }
0x8d: {  	s2 =	sadd.s32 s2, s17  }
0x8e: {  	[smem:$0x3FC2] =	sst s2  }
0x8f: {  	_ = 	snop  }
0x90: {  	s2 =	sld [smem:$0x3FD0];
	(tm) =	ssettm $0x1  }
0x91: {  	s18 =	sld [smem:$0x3FFB];
	_ =	sdelay $0x3  }
0x92: {  	_ =	strace s18  }
0x93: {  	s3 =	sld [smem:$0x3FFC];
	_ =	sdelay $0x3  }
0x94: {  	_ =	strace s3  }
0x95: {  	s3 =	sld [smem:$0x3FFD];
	_ =	sdelay $0x3  }
0x96: {  	_ =	strace s3  }
0x97: {  	_ =	strace $0x8FFFFFFF  }
0x98: {  	s19 =	sld [smem:$0x3FDB];
	_ =	sdelay $0x1  }
0x99: {  	s4 =	simm.s32 $_scs_section_size  }
0x9a: {  	s5 =	simm.s32 $_size__tile_overlayer_lowered;
	s6 =	simm.s32 $_tile_overlayer_lowered  }
0x9b: {  	s22 =	simm.s32 $0x1BFF;
	s21 =	sshll.u32 s6, $0x1;
	s3 =	sadd.s32 s4, s19  }
0x9c: {  	s7 =	simm.s32 $0x0;
	s20 =	sshll.u32 s5, $0x1;
	s5 =	sadd.s32 s21, s3  }
0x9d: {  	[timem:s7], [sflag:s22] =	dma.local [hbm:s5], s20  }
0x9e: {  	_ =	swait.ge [sflag:s22], s20  }
0x9f: {  	s4 =	ssub.s32 $0x0, s20;
	[sflag:s22] =	ssyncset.done $0x0  }
0xa0: {  	[sflag:s22] =	ssyncadd.s32 s4;
	_ =	sdelay $0x1  }
0xa1: {  	s23 =	simm.s32 $0x1B8B  }
0xa2: {  	_ =	swait.ge [sflag:s23], $0x1  }
0xa3: {  	[sflag:s23] =	ssyncset.done $0x0  }
0xa4: {  	s25 =	simm.s32 $0x1B8E;
	s24 =	sld [smem:$0x3FFE];
	[sflag:s23] =	ssyncadd.s32 $0xFFFFFFFF  }
0xa5: {  	s26 =	simm.s32 $execute0_lowered;
	[smem:$0x3FD2] =	sst s25  }
0xa6: {  	s5 =	sshll.u32 s26, $0x1;
	_ =	strace $0x80000046;
	[dreg:$0x1] =	wrdreg $0xFFFFFFFF  }
0xa7: {  	s28 =	simm.s32 $_size_execute0_lowered;
	s3 =	sadd.s32 s3, s5;
	[dreg:$0x0] =	wrdreg $0x0  }
0xa8: {  	s5 =	sshll.u32 s28, $0x1;
	[dreg:$0x2] =	wrdreg s3  }
0xa9: {  	[dreg:$0x3] =	wrdreg s5  }
0xaa: {  	[dreg:$0x4] =	wrdreg $0xC0  }
0xab: {  	_ =	task [dreg:s7], $0x5FFFF  }
0xac: {  	[dreg:$0x1] =	wrdreg $0xFFFFFFFF  }
0xad: {  	[dreg:$0x0] =	wrdreg $0x60  }
0xae: {  	[dreg:$0x2] =	wrdreg s24  }
0xaf: {  	[dreg:$0x3] =	wrdreg s2  }
0xb0: {  	[dreg:$0x4] =	wrdreg $0x2B800  }
0xb1: {  	[dreg:$0x5] =	wrdreg $0x9  }
0xb2: {  	_ =	task.clear_ibuf [dreg:s7], $0x6FFFF;
	_ =	strace $0x90000046  }
0xb3: {  	s29 =	simm.s32 $0x9;
	_ =	strace $0x80000048  }
0xb4: {  	_ =	swait.ge [sflag:s29], $0x1  }
0xb5: {  	[sflag:s29] =	ssyncadd.s32 $0xFFFFFFFF  }
0xb6: {  	_ =	strace $0x90000048  }
0xb7: {  	_ =	sfence  }
0xb8: {  	s30 =	sld [smem:$0x0];
	_ =	sdelay $0x2  }
0xb9: {  	s31 =	sshll.u32 s1, $0xD;
	s1 =	sshrl.u32 s1, $0x2  }
0xba: {  	s3 =	sand.u32 $0x4000, s31;
	s1 =	sadd.s32 s1, s30  }
0xbb: {  	s0 =	sor.u32 s3, s0;
	s1 =	sshll.u32 s1, $0x11  }
0xbc: {  	s0 =	sor.u32 s1, s0  }
0xbd: {  	s0 =	sadd.s32 $0x8F2B, s0  }
0xbe: {  	[sflag:s0] =	ssyncadd.remote.s32 $0x1  }
0xbf: {  	_ =	sfence.sel $0xFFFF  }
0xc0: {  	[dreg:$0x0] =	wrdreg $0xFFFFFFFF;
	(pc) =	sbr.abs _section_cstart, $3  }
0xc1: {  	[dreg:$0x1] =	wrdreg $0xFFFFFFFF  }
0xc2: {  	_ =	task.clear_ibuf [dreg:s7], $0x2FFFF;
	_ =	strace $0x9FFFFFFF  }
0xc3: {  	(tm) =	ssettm $0x7FFFFFFF  }
tec
execute0_lowered:
.L_overlay_start_1:
0x0: {  	(tag) =	ssettag $0x1  }
0x1: {  	s5 =	rddreg [dreg:$0x0]  }
0x2: {  	s8 =	rddreg [dreg:$0x1]  }
0x3: {  	s1 =	rddreg [dreg:$0x2]  }
0x4: {  	s0 =	rddreg [dreg:$0x3];
	s2 =	simm.s32 $0x0  }
0x5: {  	s4 =	srdreg.scid;
	s3 =	stileid.u32;
	s15 =	simm.s32 $0x0  }
0x6: {  	[smem:$0x7FF] =	sst s2;
	s6 =	sadd.s32 $0x1C00, s5;
	s7 =	sand.u32 $0x1, s4  }
0x7: {  	s4 =	sadd.s32 $0xE200, s5;
	s10 =	smul.u32 $0x13C0, s3;
	s5 =	sadd.s32 $0xBA00, s5  }
0x8: {  	s13 =	sshll.u32 s3, $0x4;
	s31 =	sshll.u32 s3, $0x6;
	_ =	strace $0x80000047  }
0x9: {  	s9 =	ssub.s32 $0x2, s7;
	s12 =	sshll.u32 s7, $0x4;
	s7 =	smul.u32 $0x13C00, s7  }
0xa: {  	s29 =	sadd.s32 s13, s6;
	s11 =	sshrl.u32 s9, $0x1;
	s28 =	sor.u32 s3, s12  }
0xb: {  	s14 =	sadd.s32 s10, s1;
	s9 =	ssub.s32 s9, s11;
	s12 =	smul.u32 $0x4E0, s28  }
0xc: {  	s7 =	sadd.s32 s10, s7;
	p0 =	sgt.u32 s28, $0x3;
	s10 =	simm.s32 $0x2780  }
0xd: {  	s11 =	simm.s32 $0x1;
	s13 =	sshrl.u32 s14, $0x3;
	s14 =	simm.s32 $0x80  }
0xe: {  	s30 =	sshrl.u32 s7, $0x3;
	s7 =	sadd.s32 $0x9C00, s29;
	s9 =	smax.u32 s9, $0x1  }
0xf: {  	s6 =	sadd.s32 s6, s12;
	s8 =	sadd.s32 s8, s30;
	s12 =	sor.u32 $0x1C01, s31  }
.LBB2_1:
0x10: {  	[tilespmem:s10], [sflag:$0x1] =	stream.linear.gather [hbm4b:s4+s2], $0x400, $0x38;
	[tilespmem:$0x3F40] =	vst v63  }
0x11: {  	_ =	swait.ge [sflag:s11], $0x400  }
0x12: {  	[sflag:s11] =	ssyncset.done $0x0  }
0x13: {  	[sflag:s11] =	ssyncadd.s32 $0xFFFFFC00  }
0x14: {  	[spmem:s13], [sflag:s12] =	dma.local [hbm:s5], $0x278  }
0x15: {  	_ =	swait.ge [sflag:s11], $0x278  }
0x16: {  	[sflag:s11] =	ssyncset.done $0x0  }
0x17: {  	[sflag:s11] =	ssyncadd.s32 $0xFFFFFD88  }
0x18: {  	[tilespmem:s2], [sflag:$0x1] =	stream.linear.gather [hbm4b:s6+s2], $0x2700, $0x38;
	[tilespmem:$0x3F40] =	vst v63  }
0x19: {  	_ =	swait.ge [sflag:s11], $0x2700  }
0x1a: {  	[sflag:s11] =	ssyncset.done $0x0  }
0x1b: {  	s16 =	simm.s32 @!p0 $0x0;
	s17 =	simm.s32 @!p0 $0x2700;
	[sflag:s11] =	ssyncadd.s32 $0xFFFFD900  }
0x1c: {  	[tilespmem:s17], [sflag:$0x1] =	stream.linear.gather @!p0 [hbm4b:s7+s16], $0x80, $0x38;
	[tilespmem:$0x3F40] =	vst v63  }
0x1d: {  	s16 =	simm.s32 @!p0 $0x1  }
0x1e: {  	_ =	swait.ge @!p0 [sflag:s16], $0x80  }
0x1f: {  	[sflag:s16] =	ssyncset.done @!p0 $0x0  }
0x20: {  	[sflag:s16] =	ssyncadd.s32 @!p0 $0xFFFFFF80  }
0x21: {  	s31 =	simm.s32 $0x0;
	[bflag:$0x0] =	sbarrier.arrive $0xFFFF  }
0x22: {  	[spmem:s1] =	stream.indirect.scatter.add.f32 [tilespmem:s10], [sflag:$0x1], $0x8, s31, s14, $0xb8;
	[tilespmem:$0x3F40] =	vst v63  }
0x23: {  	_ =	swait.ge [sflag:s11], $0x400  }
0x24: {  	s16 =	simm.s32 $0x200;
	[sflag:s11] =	ssyncset.done $0x0  }
.LBB2_2:
0x25: {  	s17 =	sshra.s32 s16, $0x2;
	[sflag:s11] =	ssyncadd.s32 $0xFFFFFC00;
	p1 =	sne.s32 s16, $0x9A00  }
0x26: {  	[spmem:s1] =	stream.indirect.scatter.add.f32 [tilespmem:s10], [sflag:$0x1], $0x8, s17, s14, $0xb8;
	[tilespmem:$0x3F40] =	vst v63  }
.Ltmp0:
0x27: {  	_ = 	snop;
	(pc) =	sbr.rel @p1 .LBB2_2-.Ltmp0, $4  }
0x28: {  	_ = 	snop  }
0x29: {  	s16 =	sadd.s32 $0x200, s16  }
0x2a: {  	_ =	swait.ge [sflag:s11], $0x400  }
0x2b: {  	[sflag:s11] =	ssyncset.done $0x0  }
0x2c: {  	[sflag:s11] =	ssyncadd.s32 $0xFFFFFC00  }
0x2d: {  	s16 =	simm.s32 @!p0 $0x80;
	s17 =	simm.s32 @!p0 $0x2700;
	s18 =	simm.s32 @!p0 $0x2780  }
0x2e: {  	[spmem:s1] =	stream.indirect.scatter.add.f32 @!p0 [tilespmem:s18], [sflag:$0x1], $0x8, s17, s16, $0xb8;
	[tilespmem:$0x3F40] =	vst v63  }
0x2f: {  	s16 =	simm.s32 @!p0 $0x1  }
0x30: {  	_ =	swait.ge @!p0 [sflag:s16], $0x400  }
0x31: {  	s15 =	sadd.s32 $0x1, s15;
	[sflag:s16] =	ssyncset.done @!p0 $0x0  }
0x32: {  	p1 =	sne.s32 s15, s9;
	[sflag:s16] =	ssyncadd.s32 @!p0 $0xFFFFFC00  }
.Ltmp1:
0x33: {  	[bflag:$0x0] =	sbarrier.arrive $0xFFFF;
	(pc) =	sbr.rel @p1 .LBB2_1-.Ltmp1, $4  }
0x34: {  	[hbm:s8], [sflag:s12] =	dma.local [spmem:s13], $0x278  }
0x35: {  	_ =	swait.ge [sflag:s11], $0x278  }
0x36: {  	[sflag:s11] =	ssyncset.done $0x0  }
0x37: {  	[sflag:s11] =	ssyncadd.s32 $0xFFFFFD88  }
0x38: {  	_ =	sfence.sel $0x180000  }
0x39: {  	[bflag:$0x0] =	sbarrier.arrive $0xFFFF  }
0x3a: {  	p0 =	sne.s32 s3, $0x0;
	_ =	strace $0x90000047  }
0x3b: {  	s0 =	sadd.s32 @!p0 $0x100000, s0;
	[bflag:$0x2] =	sbarrier.arrive $0xFFFF  }
0x3c: {  	[sflag:s0] =	ssyncadd.tile.s32 @!p0 $0x1;
	_ =	shalt  }
.Lfunc_end2:
_tile_overlayer_lowered:
.L_overlay_start_2:
0x3d: {  	(tag) =	ssettag $0x2  }
0x3e: {  	s0 =	rddreg [dreg:$0x0];
	s2 =	stileid.u32  }
0x3f: {  	s1 =	rddreg [dreg:$0x1];
	p0 =	sne.s32 s2, $0x0  }
0x40: {  	s3 =	rddreg [dreg:$0x2];
	[bflag:$0x3] =	sbarrier.arrive $0xFFFF;
	s2 =	simm.s32 @!p0 $0x1C01  }
0x41: {  	[timem:s3], [sflag:s2] =	dma.local @!p0 [hbm:s0], s1  }
0x42: {  	s0 =	simm.s32 @!p0 $0x1  }
0x43: {  	_ =	swait.ge @!p0 [sflag:s0], s1  }
0x44: {  	s1 =	ssub.s32 @!p0 $0x0, s1;
	[sflag:s0] =	ssyncset.done @!p0 $0x0  }
0x45: {  	[sflag:s0] =	ssyncadd.s32 @!p0 s1  }
0x46: {  	[bflag:$0x3] =	sbarrier.arrive $0xFFFF  }
0x47: {  	_ =	shalt  }

</sc_bundles>
